<compile_context>
chip_gen: v7x
topology: tpu7x:2x2x1
jax: 0.10.2.dev20260603
libtpu: 0.0.44.dev20260713+nightly
codegen_flags: <defaults>
</compile_context>

<pallas_src>
import functools

import jax
import jax.numpy as jnp
from jax import lax
from jax.experimental import pallas as pl
from jax.experimental.pallas import tpu as pltpu
from jax.experimental.pallas import tpu_sc as plsc

DIM = 64
BATCH = 16384
ROWS = 2 * BATCH
VOC = 1000000
NC = 2
NS = 16
NW = NC * NS
BPW = ROWS // NW
RPW = BATCH // NW
C = 128
NSTAGE = BPW // C


PK_VB = 32768
PK_SH = 15
PK_H = PK_VB // 2
PK_GRID = -(-VOC // PK_VB)
VOC2 = PK_GRID * PK_H


def _pack_body(xt_ref, p_ref):
    t = xt_ref[...]
    a = lax.slice(t, (0, 0), (DIM, PK_H))
    b = lax.slice(t, (0, PK_H), (DIM, PK_VB))
    p_ref[...] = jnp.concatenate([a, b], axis=0).T


def _pack(embT):
    return pl.pallas_call(
        _pack_body,
        grid=(PK_GRID,),
        in_specs=[pl.BlockSpec((DIM, PK_VB), lambda i: (0, i))],
        out_specs=pl.BlockSpec((PK_H, 2 * DIM), lambda i: (i, 0)),
        out_shape=jax.ShapeDtypeStruct((VOC2, 2 * DIM), jnp.float32),
    )(embT)




def _build_gather():
    mesh = plsc.VectorSubcoreMesh(core_axis_name="c", subcore_axis_name="s")

    @functools.partial(
        pl.kernel,
        mesh=mesh,
        compiler_params=pltpu.CompilerParams(needs_layout_passes=False),
        out_type=jax.ShapeDtypeStruct((BATCH, 2 * DIM), jnp.float32),
        scratch_types=[
            pltpu.VMEM((BPW,), jnp.int32),
            pltpu.VMEM((BPW,), jnp.int32),
            pltpu.VMEM((C, 2 * DIM), jnp.float32),
            pltpu.VMEM((C, 2 * DIM), jnp.float32),
            pltpu.VMEM((RPW, 2 * DIM), jnp.float32),
            pltpu.SemaphoreType.DMA,
            pltpu.SemaphoreType.DMA,
        ],
    )
    def gather_k(idx_hbm, p_hbm, out_hbm,
                 idx1_v, pk_v, buf0, buf1, out_v, sem0, sem1):
        wid = lax.axis_index("s") * NC + lax.axis_index("c")
        b0 = wid * RPW
        pltpu.sync_copy(idx_hbm.at[0, pl.ds(b0, RPW)], idx1_v.at[pl.ds(0, RPW)])
        pltpu.sync_copy(idx_hbm.at[1, pl.ds(b0, RPW)],
                        idx1_v.at[pl.ds(RPW, RPW)])
        for g in range(BPW // 16):
            v = idx1_v[pl.ds(16 * g, 16)]
            pk = (lax.shift_right_logical(v, PK_SH) * PK_H
                  + jnp.bitwise_and(v, PK_H - 1))
            pk_v[pl.ds(16 * g, 16)] = pk

        bufs = (buf0, buf1)
        sems = (sem0, sem1)

        def stage_copy(s, b):
            off = pl.multiple_of(s * C, 8)
            return pltpu.make_async_copy(
                p_hbm.at[pk_v.at[pl.ds(off, C)]], bufs[b], sems[b])

        stage_copy(0, 0).start()
        lane = lax.iota(jnp.int32, 16)

        def extract(s, buf):
            r0 = jnp.bitwise_and(s, 3) * C
            c0 = lax.shift_right_logical(s, 2) * 64

            def per_j(j):
                vv = plsc.load_gather(
                    idx1_v, [jnp.full((16,), s * C + j, jnp.int32)])
                hv = jnp.bitwise_and(
                    lax.shift_right_logical(vv, PK_SH - 1), 1) * 64
                jv = jnp.full((16,), j, jnp.int32)
                r = r0 + j
                for k in range(4):
                    x = plsc.load_gather(buf, [jv, hv + lane + 16 * k])
                    out_v[r, pl.ds(c0 + 16 * k, 16)] = x

            pl.loop(0, C)(per_j)

        def body(s0):
            for b in range(2):
                s = s0 + b

                @pl.when(s + 1 < NSTAGE)
                def _():
                    stage_copy(s + 1, 1 - b).start()

                stage_copy(s, b).wait()
                extract(s, bufs[b])

        pl.loop(0, NSTAGE, step=2)(body)
        pltpu.sync_copy(out_v, out_hbm.at[pl.ds(wid * RPW, RPW)])

    return gather_k


_gather = _build_gather()


BLK = 2048
GRID = BATCH // BLK


def _mlp_body(x_ref, w1t_ref, b1_ref, wn_ref, ws_ref, bias_ref,
              out_n_ref, out_s_ref):
    x = x_ref[...]
    h = jnp.dot(x, w1t_ref[...], preferred_element_type=jnp.float32)
    h = jnp.maximum(h + b1_ref[...], 0.0)
    n = jnp.sum(h * wn_ref[...], axis=1, keepdims=True) + bias_ref[0]
    s = jnp.sum(h * ws_ref[...], axis=1, keepdims=True) + bias_ref[1]
    out_n_ref[...] = jax.nn.sigmoid(n).T
    out_s_ref[...] = jax.nn.sigmoid(s).T


def _mlp(x, w1t, b1r, wn, ws, bias2):
    return pl.pallas_call(
        _mlp_body,
        grid=(GRID,),
        in_specs=[
            pl.BlockSpec((BLK, 2 * DIM), lambda i: (i, 0)),
            pl.BlockSpec((2 * DIM, 2 * DIM), lambda i: (0, 0)),
            pl.BlockSpec((1, 2 * DIM), lambda i: (0, 0)),
            pl.BlockSpec((1, 2 * DIM), lambda i: (0, 0)),
            pl.BlockSpec((1, 2 * DIM), lambda i: (0, 0)),
            pl.BlockSpec(memory_space=pltpu.SMEM),
        ],
        out_specs=[
            pl.BlockSpec((1, BLK), lambda i: (0, i)),
            pl.BlockSpec((1, BLK), lambda i: (0, i)),
        ],
        out_shape=[
            jax.ShapeDtypeStruct((1, BATCH), jnp.float32),
            jax.ShapeDtypeStruct((1, BATCH), jnp.float32),
        ],
    )(x, w1t, b1r, wn, ws, bias2)


def kernel(inputs, emb, W1, b1, Wn, bn, Ws, bs):
    p = _pack(emb.T)
    x = _gather(inputs.T, p)
    bias2 = jnp.concatenate([bn, bs])
    out_n, out_s = _mlp(x, W1.T, b1.reshape(1, 2 * DIM), Wn, Ws, bias2)
    return (out_n.T, out_s.T)

# --- scband reference (transcript-rebuilt; emitter-appended) ---
"""Pipeline reference for scband-traj2-vec-modeler-46420006535796 (READ-ONLY COPY).

The authoritative reference and input builder live on the scoring server;
editing this copy changes nothing except your own understanding.
"""

import jax, jax.numpy as jnp
import numpy as np

VOCAB = 1000000
DIM = 64
BATCH = 16384

def setup_inputs(seed: int = 0) -> dict:
    key = jax.random.key(seed)
    k_idx, k_emb, k_w1, k_b1, k_wn, k_bn, k_ws, k_bs = jax.random.split(key, 8)
    inputs = jax.random.randint(k_idx, (BATCH, 2), 0, VOCAB, dtype=jnp.int64 if jax.config.jax_enable_x64 else jnp.int32).astype(jnp.int32)
    emb = jax.random.normal(k_emb, (VOCAB, DIM), dtype=jnp.float32)
    # nn.Linear default init scale ~ 1/sqrt(fan_in)
    W1 = jax.random.uniform(k_w1, (128, 2 * DIM), dtype=jnp.float32, minval=-1.0, maxval=1.0) / np.sqrt(2 * DIM)
    b1 = jax.random.uniform(k_b1, (128,), dtype=jnp.float32, minval=-1.0, maxval=1.0) / np.sqrt(2 * DIM)
    Wn = jax.random.uniform(k_wn, (1, 128), dtype=jnp.float32, minval=-1.0, maxval=1.0) / np.sqrt(128)
    bn = jax.random.uniform(k_bn, (1,), dtype=jnp.float32, minval=-1.0, maxval=1.0) / np.sqrt(128)
    Ws = jax.random.uniform(k_ws, (1, 128), dtype=jnp.float32, minval=-1.0, maxval=1.0) / np.sqrt(128)
    bs = jax.random.uniform(k_bs, (1,), dtype=jnp.float32, minval=-1.0, maxval=1.0) / np.sqrt(128)
    return {"inputs": inputs, "emb": emb, "W1": W1, "b1": b1, "Wn": Wn, "bn": bn, "Ws": Ws, "bs": bs}

def reference(inputs, emb, W1, b1, Wn, bn, Ws, bs):
    # embedding lookup: [B, 2] -> [B, 2, DIM] -> [B, 2*DIM]
    embeds = jnp.take(emb, inputs, axis=0).reshape(-1, 2 * DIM)
    out = jax.nn.relu(embeds @ W1.T + b1)
    is_neighbour = jax.nn.sigmoid(out @ Wn.T + bn)
    is_same_type = jax.nn.sigmoid(out @ Ws.T + bs)
    return (is_neighbour, is_same_type)

if __name__ == "__main__":
    import jax
    _d = setup_inputs()
    print(jax.jit(kernel)(*tuple(_d.values())))

</pallas_src>

<mosaic_0001>
#map = affine_map<(d0, d1) -> (0, 0)>
module attributes {stable_mosaic.version = 14 : i64} {
  func.func @gather_k(%arg0: i32, %arg1: i32, %arg2: memref<2x16384xi32, #tpu.memory_space<hbm>>, %arg3: memref<507904x128xf32, #tpu.memory_space<hbm>>, %arg4: memref<16384x128xf32, #tpu.memory_space<hbm>>, %arg5: memref<1024xi32, #tpu.memory_space<vmem>>, %arg6: memref<1024xi32, #tpu.memory_space<vmem>>, %arg7: memref<128x128xf32, #tpu.memory_space<vmem>>, %arg8: memref<128x128xf32, #tpu.memory_space<vmem>>, %arg9: memref<512x128xf32, #tpu.memory_space<vmem>>, %arg10: memref<!tpu.dma_semaphore, #tpu.memory_space<semaphore_mem>>, %arg11: memref<!tpu.dma_semaphore, #tpu.memory_space<semaphore_mem>>) attributes {dimension_semantics = [#tpu.dimension_semantics<core_parallel>, #tpu.dimension_semantics<subcore_parallel>], iteration_bounds = array<i64: 2, 16>, scalar_prefetch = 0 : i64, scratch_operands = 7 : i64, tpu.core_type = #tpu.core_type<sc_vector_subcore>, window_params = [{transform_indices = #map}, {transform_indices = #map}, {transform_indices = #map}]} {
    %mul3A = arith.constant 2 : i32
    %mul3A_0 = arith.muli %arg1, %mul3A : i32
    %add3A = arith.addi %mul3A_0, %arg0 : i32
    %mul3A_1 = arith.constant 512 : i32
    %mul3A_2 = arith.muli %add3A, %mul3A_1 : i32
    %run_scoped3A = arith.constant 0 : i32
    "tpu.region"() ({
      %run_scoped3A_906 = tpu.sem_alloc : memref<!tpu.dma_semaphore, #tpu.memory_space<semaphore_mem>>
      %dma_start3A_907 = arith.constant 0 : i32
      %dma_start3A_908 = tpu.memref_slice %arg5[%dma_start3A_907] : memref<1024xi32, #tpu.memory_space<vmem>> -> memref<512xi32, #tpu.memory_space<vmem>>
      %dma_start3A_909 = tpu.memref_slice %arg2[%run_scoped3A, %mul3A_2] : memref<2x16384xi32, #tpu.memory_space<hbm>> -> memref<1x512xi32, #tpu.memory_space<hbm>>
      %dma_start3A_910 = tpu.memref_squeeze %dma_start3A_909 : memref<1x512xi32, #tpu.memory_space<hbm>> -> memref<512xi32, #tpu.memory_space<hbm>>
      %dma_start3A_911 = arith.constant 0 : i32
      %dma_start3A_912 = tpu.memref_slice %arg5[%dma_start3A_911] : memref<1024xi32, #tpu.memory_space<vmem>> -> memref<512xi32, #tpu.memory_space<vmem>>
      %dma_start3A_913 = tpu.memref_slice %arg2[%run_scoped3A, %mul3A_2] : memref<2x16384xi32, #tpu.memory_space<hbm>> -> memref<1x512xi32, #tpu.memory_space<hbm>>
      %dma_start3A_914 = tpu.memref_squeeze %dma_start3A_913 : memref<1x512xi32, #tpu.memory_space<hbm>> -> memref<512xi32, #tpu.memory_space<hbm>>
      tpu.enqueue_dma source(%dma_start3A_914 : memref<512xi32, #tpu.memory_space<hbm>>) target(%dma_start3A_912 : memref<512xi32, #tpu.memory_space<vmem>>) target_semaphore(%run_scoped3A_906 : memref<!tpu.dma_semaphore, #tpu.memory_space<semaphore_mem>>)
      %dma_wait3A = arith.constant 0 : i32
      %dma_wait3A_915 = tpu.memref_slice %arg5[%dma_wait3A] : memref<1024xi32, #tpu.memory_space<vmem>> -> memref<512xi32, #tpu.memory_space<vmem>>
      %dma_wait3A_916 = tpu.memref_slice %arg2[%run_scoped3A, %mul3A_2] : memref<2x16384xi32, #tpu.memory_space<hbm>> -> memref<1x512xi32, #tpu.memory_space<hbm>>
      %dma_wait3A_917 = tpu.memref_squeeze %dma_wait3A_916 : memref<1x512xi32, #tpu.memory_space<hbm>> -> memref<512xi32, #tpu.memory_space<hbm>>
      %dma_wait3A_918 = arith.constant 0 : i32
      %dma_wait3A_919 = tpu.memref_slice %arg5[%dma_wait3A_918] : memref<1024xi32, #tpu.memory_space<vmem>> -> memref<512xi32, #tpu.memory_space<vmem>>
      %dma_wait3A_920 = tpu.memref_slice %arg2[%run_scoped3A, %mul3A_2] : memref<2x16384xi32, #tpu.memory_space<hbm>> -> memref<1x512xi32, #tpu.memory_space<hbm>>
      %dma_wait3A_921 = tpu.memref_squeeze %dma_wait3A_920 : memref<1x512xi32, #tpu.memory_space<hbm>> -> memref<512xi32, #tpu.memory_space<hbm>>
      tpu.wait_dma2 semaphore(%run_scoped3A_906 : memref<!tpu.dma_semaphore, #tpu.memory_space<semaphore_mem>>) src(%dma_wait3A_921 : memref<512xi32, #tpu.memory_space<hbm>>) dst(%dma_wait3A_919 : memref<512xi32, #tpu.memory_space<vmem>>)
      tpu.yield
    }) : () -> ()
    %run_scoped3A_3 = arith.constant 1 : i32
    "tpu.region"() ({
      %run_scoped3A_906 = tpu.sem_alloc : memref<!tpu.dma_semaphore, #tpu.memory_space<semaphore_mem>>
      %dma_start3A_907 = arith.constant 512 : i32
      %dma_start3A_908 = tpu.memref_slice %arg5[%dma_start3A_907] : memref<1024xi32, #tpu.memory_space<vmem>> -> memref<512xi32, #tpu.memory_space<vmem>>
      %dma_start3A_909 = tpu.memref_slice %arg2[%run_scoped3A_3, %mul3A_2] : memref<2x16384xi32, #tpu.memory_space<hbm>> -> memref<1x512xi32, #tpu.memory_space<hbm>>
      %dma_start3A_910 = tpu.memref_squeeze %dma_start3A_909 : memref<1x512xi32, #tpu.memory_space<hbm>> -> memref<512xi32, #tpu.memory_space<hbm>>
      %dma_start3A_911 = arith.constant 512 : i32
      %dma_start3A_912 = tpu.memref_slice %arg5[%dma_start3A_911] : memref<1024xi32, #tpu.memory_space<vmem>> -> memref<512xi32, #tpu.memory_space<vmem>>
      %dma_start3A_913 = tpu.memref_slice %arg2[%run_scoped3A_3, %mul3A_2] : memref<2x16384xi32, #tpu.memory_space<hbm>> -> memref<1x512xi32, #tpu.memory_space<hbm>>
      %dma_start3A_914 = tpu.memref_squeeze %dma_start3A_913 : memref<1x512xi32, #tpu.memory_space<hbm>> -> memref<512xi32, #tpu.memory_space<hbm>>
      tpu.enqueue_dma source(%dma_start3A_914 : memref<512xi32, #tpu.memory_space<hbm>>) target(%dma_start3A_912 : memref<512xi32, #tpu.memory_space<vmem>>) target_semaphore(%run_scoped3A_906 : memref<!tpu.dma_semaphore, #tpu.memory_space<semaphore_mem>>)
      %dma_wait3A = arith.constant 512 : i32
      %dma_wait3A_915 = tpu.memref_slice %arg5[%dma_wait3A] : memref<1024xi32, #tpu.memory_space<vmem>> -> memref<512xi32, #tpu.memory_space<vmem>>
      %dma_wait3A_916 = tpu.memref_slice %arg2[%run_scoped3A_3, %mul3A_2] : memref<2x16384xi32, #tpu.memory_space<hbm>> -> memref<1x512xi32, #tpu.memory_space<hbm>>
      %dma_wait3A_917 = tpu.memref_squeeze %dma_wait3A_916 : memref<1x512xi32, #tpu.memory_space<hbm>> -> memref<512xi32, #tpu.memory_space<hbm>>
      %dma_wait3A_918 = arith.constant 512 : i32
      %dma_wait3A_919 = tpu.memref_slice %arg5[%dma_wait3A_918] : memref<1024xi32, #tpu.memory_space<vmem>> -> memref<512xi32, #tpu.memory_space<vmem>>
      %dma_wait3A_920 = tpu.memref_slice %arg2[%run_scoped3A_3, %mul3A_2] : memref<2x16384xi32, #tpu.memory_space<hbm>> -> memref<1x512xi32, #tpu.memory_space<hbm>>
      %dma_wait3A_921 = tpu.memref_squeeze %dma_wait3A_920 : memref<1x512xi32, #tpu.memory_space<hbm>> -> memref<512xi32, #tpu.memory_space<hbm>>
      tpu.wait_dma2 semaphore(%run_scoped3A_906 : memref<!tpu.dma_semaphore, #tpu.memory_space<semaphore_mem>>) src(%dma_wait3A_921 : memref<512xi32, #tpu.memory_space<hbm>>) dst(%dma_wait3A_919 : memref<512xi32, #tpu.memory_space<vmem>>)
      tpu.yield
    }) : () -> ()
    %get3A = arith.constant 0 : index
    %get3A_4 = tpu.vector_load %arg5[%get3A] {strides = array<i32>} : memref<1024xi32, #tpu.memory_space<vmem>>, vector<16xi32>,
    %shift_right_logical3A = arith.constant 15 : i32
    %shift_right_logical3A_5 = vector.broadcast %shift_right_logical3A : i32 to vector<16xi32>
    %shift_right_logical3A_6 = arith.shrui %get3A_4, %shift_right_logical3A_5 : vector<16xi32>
    %mul3A_7 = arith.constant 16384 : i32
    %mul3A_8 = vector.broadcast %mul3A_7 : i32 to vector<16xi32>
    %mul3A_9 = arith.muli %shift_right_logical3A_6, %mul3A_8 : vector<16xi32>
    %and3A = arith.constant 16383 : i32
    %and3A_10 = vector.broadcast %and3A : i32 to vector<16xi32>
    %and3A_11 = arith.andi %get3A_4, %and3A_10 : vector<16xi32>
    %add3A_12 = arith.addi %mul3A_9, %and3A_11 : vector<16xi32>
    %swap3A = arith.constant 0 : index
    %swap3A_13 = tpu.vector_load %arg6[%swap3A] {strides = array<i32>} : memref<1024xi32, #tpu.memory_space<vmem>>, vector<16xi32>,
    tpu.vector_store %arg6[%swap3A], %add3A_12 {strides = array<i32>} : memref<1024xi32, #tpu.memory_space<vmem>>, vector<16xi32>,
    %get3A_14 = arith.constant 16 : index
    %get3A_15 = tpu.vector_load %arg5[%get3A_14] {strides = array<i32>} : memref<1024xi32, #tpu.memory_space<vmem>>, vector<16xi32>,
    %shift_right_logical3A_16 = arith.constant 15 : i32
    %shift_right_logical3A_17 = vector.broadcast %shift_right_logical3A_16 : i32 to vector<16xi32>
    %shift_right_logical3A_18 = arith.shrui %get3A_15, %shift_right_logical3A_17 : vector<16xi32>
    %mul3A_19 = arith.constant 16384 : i32
    %mul3A_20 = vector.broadcast %mul3A_19 : i32 to vector<16xi32>
    %mul3A_21 = arith.muli %shift_right_logical3A_18, %mul3A_20 : vector<16xi32>
    %and3A_22 = arith.constant 16383 : i32
    %and3A_23 = vector.broadcast %and3A_22 : i32 to vector<16xi32>
    %and3A_24 = arith.andi %get3A_15, %and3A_23 : vector<16xi32>
    %add3A_25 = arith.addi %mul3A_21, %and3A_24 : vector<16xi32>
    %swap3A_26 = arith.constant 16 : index
    %swap3A_27 = tpu.vector_load %arg6[%swap3A_26] {strides = array<i32>} : memref<1024xi32, #tpu.memory_space<vmem>>, vector<16xi32>,
    tpu.vector_store %arg6[%swap3A_26], %add3A_25 {strides = array<i32>} : memref<1024xi32, #tpu.memory_space<vmem>>, vector<16xi32>,
    %get3A_28 = arith.constant 32 : index
    %get3A_29 = tpu.vector_load %arg5[%get3A_28] {strides = array<i32>} : memref<1024xi32, #tpu.memory_space<vmem>>, vector<16xi32>,
    %shift_right_logical3A_30 = arith.constant 15 : i32
    %shift_right_logical3A_31 = vector.broadcast %shift_right_logical3A_30 : i32 to vector<16xi32>
    %shift_right_logical3A_32 = arith.shrui %get3A_29, %shift_right_logical3A_31 : vector<16xi32>
    %mul3A_33 = arith.constant 16384 : i32
    %mul3A_34 = vector.broadcast %mul3A_33 : i32 to vector<16xi32>
    %mul3A_35 = arith.muli %shift_right_logical3A_32, %mul3A_34 : vector<16xi32>
    %and3A_36 = arith.constant 16383 : i32
    %and3A_37 = vector.broadcast %and3A_36 : i32 to vector<16xi32>
    %and3A_38 = arith.andi %get3A_29, %and3A_37 : vector<16xi32>
    %add3A_39 = arith.addi %mul3A_35, %and3A_38 : vector<16xi32>
    %swap3A_40 = arith.constant 32 : index
    %swap3A_41 = tpu.vector_load %arg6[%swap3A_40] {strides = array<i32>} : memref<1024xi32, #tpu.memory_space<vmem>>, vector<16xi32>,
    tpu.vector_store %arg6[%swap3A_40], %add3A_39 {strides = array<i32>} : memref<1024xi32, #tpu.memory_space<vmem>>, vector<16xi32>,
    %get3A_42 = arith.constant 48 : index
    %get3A_43 = tpu.vector_load %arg5[%get3A_42] {strides = array<i32>} : memref<1024xi32, #tpu.memory_space<vmem>>, vector<16xi32>,
    %shift_right_logical3A_44 = arith.constant 15 : i32
    %shift_right_logical3A_45 = vector.broadcast %shift_right_logical3A_44 : i32 to vector<16xi32>
    %shift_right_logical3A_46 = arith.shrui %get3A_43, %shift_right_logical3A_45 : vector<16xi32>
    %mul3A_47 = arith.constant 16384 : i32
    %mul3A_48 = vector.broadcast %mul3A_47 : i32 to vector<16xi32>
    %mul3A_49 = arith.muli %shift_right_logical3A_46, %mul3A_48 : vector<16xi32>
    %and3A_50 = arith.constant 16383 : i32
    %and3A_51 = vector.broadcast %and3A_50 : i32 to vector<16xi32>
    %and3A_52 = arith.andi %get3A_43, %and3A_51 : vector<16xi32>
    %add3A_53 = arith.addi %mul3A_49, %and3A_52 : vector<16xi32>
    %swap3A_54 = arith.constant 48 : index
    %swap3A_55 = tpu.vector_load %arg6[%swap3A_54] {strides = array<i32>} : memref<1024xi32, #tpu.memory_space<vmem>>, vector<16xi32>,
    tpu.vector_store %arg6[%swap3A_54], %add3A_53 {strides = array<i32>} : memref<1024xi32, #tpu.memory_space<vmem>>, vector<16xi32>,
    %get3A_56 = arith.constant 64 : index
    %get3A_57 = tpu.vector_load %arg5[%get3A_56] {strides = array<i32>} : memref<1024xi32, #tpu.memory_space<vmem>>, vector<16xi32>,
    %shift_right_logical3A_58 = arith.constant 15 : i32
    %shift_right_logical3A_59 = vector.broadcast %shift_right_logical3A_58 : i32 to vector<16xi32>
    %shift_right_logical3A_60 = arith.shrui %get3A_57, %shift_right_logical3A_59 : vector<16xi32>
    %mul3A_61 = arith.constant 16384 : i32
    %mul3A_62 = vector.broadcast %mul3A_61 : i32 to vector<16xi32>
    %mul3A_63 = arith.muli %shift_right_logical3A_60, %mul3A_62 : vector<16xi32>
    %and3A_64 = arith.constant 16383 : i32
    %and3A_65 = vector.broadcast %and3A_64 : i32 to vector<16xi32>
    %and3A_66 = arith.andi %get3A_57, %and3A_65 : vector<16xi32>
    %add3A_67 = arith.addi %mul3A_63, %and3A_66 : vector<16xi32>
    %swap3A_68 = arith.constant 64 : index
    %swap3A_69 = tpu.vector_load %arg6[%swap3A_68] {strides = array<i32>} : memref<1024xi32, #tpu.memory_space<vmem>>, vector<16xi32>,
    tpu.vector_store %arg6[%swap3A_68], %add3A_67 {strides = array<i32>} : memref<1024xi32, #tpu.memory_space<vmem>>, vector<16xi32>,
    %get3A_70 = arith.constant 80 : index
    %get3A_71 = tpu.vector_load %arg5[%get3A_70] {strides = array<i32>} : memref<1024xi32, #tpu.memory_space<vmem>>, vector<16xi32>,
    %shift_right_logical3A_72 = arith.constant 15 : i32
    %shift_right_logical3A_73 = vector.broadcast %shift_right_logical3A_72 : i32 to vector<16xi32>
    %shift_right_logical3A_74 = arith.shrui %get3A_71, %shift_right_logical3A_73 : vector<16xi32>
    %mul3A_75 = arith.constant 16384 : i32
    %mul3A_76 = vector.broadcast %mul3A_75 : i32 to vector<16xi32>
    %mul3A_77 = arith.muli %shift_right_logical3A_74, %mul3A_76 : vector<16xi32>
    %and3A_78 = arith.constant 16383 : i32
    %and3A_79 = vector.broadcast %and3A_78 : i32 to vector<16xi32>
    %and3A_80 = arith.andi %get3A_71, %and3A_79 : vector<16xi32>
    %add3A_81 = arith.addi %mul3A_77, %and3A_80 : vector<16xi32>
    %swap3A_82 = arith.constant 80 : index
    %swap3A_83 = tpu.vector_load %arg6[%swap3A_82] {strides = array<i32>} : memref<1024xi32, #tpu.memory_space<vmem>>, vector<16xi32>,
    tpu.vector_store %arg6[%swap3A_82], %add3A_81 {strides = array<i32>} : memref<1024xi32, #tpu.memory_space<vmem>>, vector<16xi32>,
    %get3A_84 = arith.constant 96 : index
    %get3A_85 = tpu.vector_load %arg5[%get3A_84] {strides = array<i32>} : memref<1024xi32, #tpu.memory_space<vmem>>, vector<16xi32>,
    %shift_right_logical3A_86 = arith.constant 15 : i32
    %shift_right_logical3A_87 = vector.broadcast %shift_right_logical3A_86 : i32 to vector<16xi32>
    %shift_right_logical3A_88 = arith.shrui %get3A_85, %shift_right_logical3A_87 : vector<16xi32>
    %mul3A_89 = arith.constant 16384 : i32
    %mul3A_90 = vector.broadcast %mul3A_89 : i32 to vector<16xi32>
    %mul3A_91 = arith.muli %shift_right_logical3A_88, %mul3A_90 : vector<16xi32>
    %and3A_92 = arith.constant 16383 : i32
    %and3A_93 = vector.broadcast %and3A_92 : i32 to vector<16xi32>
    %and3A_94 = arith.andi %get3A_85, %and3A_93 : vector<16xi32>
    %add3A_95 = arith.addi %mul3A_91, %and3A_94 : vector<16xi32>
    %swap3A_96 = arith.constant 96 : index
    %swap3A_97 = tpu.vector_load %arg6[%swap3A_96] {strides = array<i32>} : memref<1024xi32, #tpu.memory_space<vmem>>, vector<16xi32>,
    tpu.vector_store %arg6[%swap3A_96], %add3A_95 {strides = array<i32>} : memref<1024xi32, #tpu.memory_space<vmem>>, vector<16xi32>,
    %get3A_98 = arith.constant 112 : index
    %get3A_99 = tpu.vector_load %arg5[%get3A_98] {strides = array<i32>} : memref<1024xi32, #tpu.memory_space<vmem>>, vector<16xi32>,
    %shift_right_logical3A_100 = arith.constant 15 : i32
    %shift_right_logical3A_101 = vector.broadcast %shift_right_logical3A_100 : i32 to vector<16xi32>
    %shift_right_logical3A_102 = arith.shrui %get3A_99, %shift_right_logical3A_101 : vector<16xi32>
    %mul3A_103 = arith.constant 16384 : i32
    %mul3A_104 = vector.broadcast %mul3A_103 : i32 to vector<16xi32>
    %mul3A_105 = arith.muli %shift_right_logical3A_102, %mul3A_104 : vector<16xi32>
    %and3A_106 = arith.constant 16383 : i32
    %and3A_107 = vector.broadcast %and3A_106 : i32 to vector<16xi32>
    %and3A_108 = arith.andi %get3A_99, %and3A_107 : vector<16xi32>
    %add3A_109 = arith.addi %mul3A_105, %and3A_108 : vector<16xi32>
    %swap3A_110 = arith.constant 112 : index
    %swap3A_111 = tpu.vector_load %arg6[%swap3A_110] {strides = array<i32>} : memref<1024xi32, #tpu.memory_space<vmem>>, vector<16xi32>,
    tpu.vector_store %arg6[%swap3A_110], %add3A_109 {strides = array<i32>} : memref<1024xi32, #tpu.memory_space<vmem>>, vector<16xi32>,
    %get3A_112 = arith.constant 128 : index
    %get3A_113 = tpu.vector_load %arg5[%get3A_112] {strides = array<i32>} : memref<1024xi32, #tpu.memory_space<vmem>>, vector<16xi32>,
    %shift_right_logical3A_114 = arith.constant 15 : i32
    %shift_right_logical3A_115 = vector.broadcast %shift_right_logical3A_114 : i32 to vector<16xi32>
    %shift_right_logical3A_116 = arith.shrui %get3A_113, %shift_right_logical3A_115 : vector<16xi32>
    %mul3A_117 = arith.constant 16384 : i32
    %mul3A_118 = vector.broadcast %mul3A_117 : i32 to vector<16xi32>
    %mul3A_119 = arith.muli %shift_right_logical3A_116, %mul3A_118 : vector<16xi32>
    %and3A_120 = arith.constant 16383 : i32
    %and3A_121 = vector.broadcast %and3A_120 : i32 to vector<16xi32>
    %and3A_122 = arith.andi %get3A_113, %and3A_121 : vector<16xi32>
    %add3A_123 = arith.addi %mul3A_119, %and3A_122 : vector<16xi32>
    %swap3A_124 = arith.constant 128 : index
    %swap3A_125 = tpu.vector_load %arg6[%swap3A_124] {strides = array<i32>} : memref<1024xi32, #tpu.memory_space<vmem>>, vector<16xi32>,
    tpu.vector_store %arg6[%swap3A_124], %add3A_123 {strides = array<i32>} : memref<1024xi32, #tpu.memory_space<vmem>>, vector<16xi32>,
    %get3A_126 = arith.constant 144 : index
    %get3A_127 = tpu.vector_load %arg5[%get3A_126] {strides = array<i32>} : memref<1024xi32, #tpu.memory_space<vmem>>, vector<16xi32>,
    %shift_right_logical3A_128 = arith.constant 15 : i32
    %shift_right_logical3A_129 = vector.broadcast %shift_right_logical3A_128 : i32 to vector<16xi32>
    %shift_right_logical3A_130 = arith.shrui %get3A_127, %shift_right_logical3A_129 : vector<16xi32>
    %mul3A_131 = arith.constant 16384 : i32
    %mul3A_132 = vector.broadcast %mul3A_131 : i32 to vector<16xi32>
    %mul3A_133 = arith.muli %shift_right_logical3A_130, %mul3A_132 : vector<16xi32>
    %and3A_134 = arith.constant 16383 : i32
    %and3A_135 = vector.broadcast %and3A_134 : i32 to vector<16xi32>
    %and3A_136 = arith.andi %get3A_127, %and3A_135 : vector<16xi32>
    %add3A_137 = arith.addi %mul3A_133, %and3A_136 : vector<16xi32>
    %swap3A_138 = arith.constant 144 : index
    %swap3A_139 = tpu.vector_load %arg6[%swap3A_138] {strides = array<i32>} : memref<1024xi32, #tpu.memory_space<vmem>>, vector<16xi32>,
    tpu.vector_store %arg6[%swap3A_138], %add3A_137 {strides = array<i32>} : memref<1024xi32, #tpu.memory_space<vmem>>, vector<16xi32>,
    %get3A_140 = arith.constant 160 : index
    %get3A_141 = tpu.vector_load %arg5[%get3A_140] {strides = array<i32>} : memref<1024xi32, #tpu.memory_space<vmem>>, vector<16xi32>,
    %shift_right_logical3A_142 = arith.constant 15 : i32
    %shift_right_logical3A_143 = vector.broadcast %shift_right_logical3A_142 : i32 to vector<16xi32>
    %shift_right_logical3A_144 = arith.shrui %get3A_141, %shift_right_logical3A_143 : vector<16xi32>
    %mul3A_145 = arith.constant 16384 : i32
    %mul3A_146 = vector.broadcast %mul3A_145 : i32 to vector<16xi32>
    %mul3A_147 = arith.muli %shift_right_logical3A_144, %mul3A_146 : vector<16xi32>
    %and3A_148 = arith.constant 16383 : i32
    %and3A_149 = vector.broadcast %and3A_148 : i32 to vector<16xi32>
    %and3A_150 = arith.andi %get3A_141, %and3A_149 : vector<16xi32>
    %add3A_151 = arith.addi %mul3A_147, %and3A_150 : vector<16xi32>
    %swap3A_152 = arith.constant 160 : index
    %swap3A_153 = tpu.vector_load %arg6[%swap3A_152] {strides = array<i32>} : memref<1024xi32, #tpu.memory_space<vmem>>, vector<16xi32>,
    tpu.vector_store %arg6[%swap3A_152], %add3A_151 {strides = array<i32>} : memref<1024xi32, #tpu.memory_space<vmem>>, vector<16xi32>,
    %get3A_154 = arith.constant 176 : index
    %get3A_155 = tpu.vector_load %arg5[%get3A_154] {strides = array<i32>} : memref<1024xi32, #tpu.memory_space<vmem>>, vector<16xi32>,
    %shift_right_logical3A_156 = arith.constant 15 : i32
    %shift_right_logical3A_157 = vector.broadcast %shift_right_logical3A_156 : i32 to vector<16xi32>
    %shift_right_logical3A_158 = arith.shrui %get3A_155, %shift_right_logical3A_157 : vector<16xi32>
    %mul3A_159 = arith.constant 16384 : i32
    %mul3A_160 = vector.broadcast %mul3A_159 : i32 to vector<16xi32>
    %mul3A_161 = arith.muli %shift_right_logical3A_158, %mul3A_160 : vector<16xi32>
    %and3A_162 = arith.constant 16383 : i32
    %and3A_163 = vector.broadcast %and3A_162 : i32 to vector<16xi32>
    %and3A_164 = arith.andi %get3A_155, %and3A_163 : vector<16xi32>
    %add3A_165 = arith.addi %mul3A_161, %and3A_164 : vector<16xi32>
    %swap3A_166 = arith.constant 176 : index
    %swap3A_167 = tpu.vector_load %arg6[%swap3A_166] {strides = array<i32>} : memref<1024xi32, #tpu.memory_space<vmem>>, vector<16xi32>,
    tpu.vector_store %arg6[%swap3A_166], %add3A_165 {strides = array<i32>} : memref<1024xi32, #tpu.memory_space<vmem>>, vector<16xi32>,
    %get3A_168 = arith.constant 192 : index
    %get3A_169 = tpu.vector_load %arg5[%get3A_168] {strides = array<i32>} : memref<1024xi32, #tpu.memory_space<vmem>>, vector<16xi32>,
    %shift_right_logical3A_170 = arith.constant 15 : i32
    %shift_right_logical3A_171 = vector.broadcast %shift_right_logical3A_170 : i32 to vector<16xi32>
    %shift_right_logical3A_172 = arith.shrui %get3A_169, %shift_right_logical3A_171 : vector<16xi32>
    %mul3A_173 = arith.constant 16384 : i32
    %mul3A_174 = vector.broadcast %mul3A_173 : i32 to vector<16xi32>
    %mul3A_175 = arith.muli %shift_right_logical3A_172, %mul3A_174 : vector<16xi32>
    %and3A_176 = arith.constant 16383 : i32
    %and3A_177 = vector.broadcast %and3A_176 : i32 to vector<16xi32>
    %and3A_178 = arith.andi %get3A_169, %and3A_177 : vector<16xi32>
    %add3A_179 = arith.addi %mul3A_175, %and3A_178 : vector<16xi32>
    %swap3A_180 = arith.constant 192 : index
    %swap3A_181 = tpu.vector_load %arg6[%swap3A_180] {strides = array<i32>} : memref<1024xi32, #tpu.memory_space<vmem>>, vector<16xi32>,
    tpu.vector_store %arg6[%swap3A_180], %add3A_179 {strides = array<i32>} : memref<1024xi32, #tpu.memory_space<vmem>>, vector<16xi32>,
    %get3A_182 = arith.constant 208 : index
    %get3A_183 = tpu.vector_load %arg5[%get3A_182] {strides = array<i32>} : memref<1024xi32, #tpu.memory_space<vmem>>, vector<16xi32>,
    %shift_right_logical3A_184 = arith.constant 15 : i32
    %shift_right_logical3A_185 = vector.broadcast %shift_right_logical3A_184 : i32 to vector<16xi32>
    %shift_right_logical3A_186 = arith.shrui %get3A_183, %shift_right_logical3A_185 : vector<16xi32>
    %mul3A_187 = arith.constant 16384 : i32
    %mul3A_188 = vector.broadcast %mul3A_187 : i32 to vector<16xi32>
    %mul3A_189 = arith.muli %shift_right_logical3A_186, %mul3A_188 : vector<16xi32>
    %and3A_190 = arith.constant 16383 : i32
    %and3A_191 = vector.broadcast %and3A_190 : i32 to vector<16xi32>
    %and3A_192 = arith.andi %get3A_183, %and3A_191 : vector<16xi32>
    %add3A_193 = arith.addi %mul3A_189, %and3A_192 : vector<16xi32>
    %swap3A_194 = arith.constant 208 : index
    %swap3A_195 = tpu.vector_load %arg6[%swap3A_194] {strides = array<i32>} : memref<1024xi32, #tpu.memory_space<vmem>>, vector<16xi32>,
    tpu.vector_store %arg6[%swap3A_194], %add3A_193 {strides = array<i32>} : memref<1024xi32, #tpu.memory_space<vmem>>, vector<16xi32>,
    %get3A_196 = arith.constant 224 : index
    %get3A_197 = tpu.vector_load %arg5[%get3A_196] {strides = array<i32>} : memref<1024xi32, #tpu.memory_space<vmem>>, vector<16xi32>,
    %shift_right_logical3A_198 = arith.constant 15 : i32
    %shift_right_logical3A_199 = vector.broadcast %shift_right_logical3A_198 : i32 to vector<16xi32>
    %shift_right_logical3A_200 = arith.shrui %get3A_197, %shift_right_logical3A_199 : vector<16xi32>
    %mul3A_201 = arith.constant 16384 : i32
    %mul3A_202 = vector.broadcast %mul3A_201 : i32 to vector<16xi32>
    %mul3A_203 = arith.muli %shift_right_logical3A_200, %mul3A_202 : vector<16xi32>
    %and3A_204 = arith.constant 16383 : i32
    %and3A_205 = vector.broadcast %and3A_204 : i32 to vector<16xi32>
    %and3A_206 = arith.andi %get3A_197, %and3A_205 : vector<16xi32>
    %add3A_207 = arith.addi %mul3A_203, %and3A_206 : vector<16xi32>
    %swap3A_208 = arith.constant 224 : index
    %swap3A_209 = tpu.vector_load %arg6[%swap3A_208] {strides = array<i32>} : memref<1024xi32, #tpu.memory_space<vmem>>, vector<16xi32>,
    tpu.vector_store %arg6[%swap3A_208], %add3A_207 {strides = array<i32>} : memref<1024xi32, #tpu.memory_space<vmem>>, vector<16xi32>,
    %get3A_210 = arith.constant 240 : index
    %get3A_211 = tpu.vector_load %arg5[%get3A_210] {strides = array<i32>} : memref<1024xi32, #tpu.memory_space<vmem>>, vector<16xi32>,
    %shift_right_logical3A_212 = arith.constant 15 : i32
    %shift_right_logical3A_213 = vector.broadcast %shift_right_logical3A_212 : i32 to vector<16xi32>
    %shift_right_logical3A_214 = arith.shrui %get3A_211, %shift_right_logical3A_213 : vector<16xi32>
    %mul3A_215 = arith.constant 16384 : i32
    %mul3A_216 = vector.broadcast %mul3A_215 : i32 to vector<16xi32>
    %mul3A_217 = arith.muli %shift_right_logical3A_214, %mul3A_216 : vector<16xi32>
    %and3A_218 = arith.constant 16383 : i32
    %and3A_219 = vector.broadcast %and3A_218 : i32 to vector<16xi32>
    %and3A_220 = arith.andi %get3A_211, %and3A_219 : vector<16xi32>
    %add3A_221 = arith.addi %mul3A_217, %and3A_220 : vector<16xi32>
    %swap3A_222 = arith.constant 240 : index
    %swap3A_223 = tpu.vector_load %arg6[%swap3A_222] {strides = array<i32>} : memref<1024xi32, #tpu.memory_space<vmem>>, vector<16xi32>,
    tpu.vector_store %arg6[%swap3A_222], %add3A_221 {strides = array<i32>} : memref<1024xi32, #tpu.memory_space<vmem>>, vector<16xi32>,
    %get3A_224 = arith.constant 256 : index
    %get3A_225 = tpu.vector_load %arg5[%get3A_224] {strides = array<i32>} : memref<1024xi32, #tpu.memory_space<vmem>>, vector<16xi32>,
    %shift_right_logical3A_226 = arith.constant 15 : i32
    %shift_right_logical3A_227 = vector.broadcast %shift_right_logical3A_226 : i32 to vector<16xi32>
    %shift_right_logical3A_228 = arith.shrui %get3A_225, %shift_right_logical3A_227 : vector<16xi32>
    %mul3A_229 = arith.constant 16384 : i32
    %mul3A_230 = vector.broadcast %mul3A_229 : i32 to vector<16xi32>
    %mul3A_231 = arith.muli %shift_right_logical3A_228, %mul3A_230 : vector<16xi32>
    %and3A_232 = arith.constant 16383 : i32
    %and3A_233 = vector.broadcast %and3A_232 : i32 to vector<16xi32>
    %and3A_234 = arith.andi %get3A_225, %and3A_233 : vector<16xi32>
    %add3A_235 = arith.addi %mul3A_231, %and3A_234 : vector<16xi32>
    %swap3A_236 = arith.constant 256 : index
    %swap3A_237 = tpu.vector_load %arg6[%swap3A_236] {strides = array<i32>} : memref<1024xi32, #tpu.memory_space<vmem>>, vector<16xi32>,
    tpu.vector_store %arg6[%swap3A_236], %add3A_235 {strides = array<i32>} : memref<1024xi32, #tpu.memory_space<vmem>>, vector<16xi32>,
    %get3A_238 = arith.constant 272 : index
    %get3A_239 = tpu.vector_load %arg5[%get3A_238] {strides = array<i32>} : memref<1024xi32, #tpu.memory_space<vmem>>, vector<16xi32>,
    %shift_right_logical3A_240 = arith.constant 15 : i32
    %shift_right_logical3A_241 = vector.broadcast %shift_right_logical3A_240 : i32 to vector<16xi32>
    %shift_right_logical3A_242 = arith.shrui %get3A_239, %shift_right_logical3A_241 : vector<16xi32>
    %mul3A_243 = arith.constant 16384 : i32
    %mul3A_244 = vector.broadcast %mul3A_243 : i32 to vector<16xi32>
    %mul3A_245 = arith.muli %shift_right_logical3A_242, %mul3A_244 : vector<16xi32>
    %and3A_246 = arith.constant 16383 : i32
    %and3A_247 = vector.broadcast %and3A_246 : i32 to vector<16xi32>
    %and3A_248 = arith.andi %get3A_239, %and3A_247 : vector<16xi32>
    %add3A_249 = arith.addi %mul3A_245, %and3A_248 : vector<16xi32>
    %swap3A_250 = arith.constant 272 : index
    %swap3A_251 = tpu.vector_load %arg6[%swap3A_250] {strides = array<i32>} : memref<1024xi32, #tpu.memory_space<vmem>>, vector<16xi32>,
    tpu.vector_store %arg6[%swap3A_250], %add3A_249 {strides = array<i32>} : memref<1024xi32, #tpu.memory_space<vmem>>, vector<16xi32>,
    %get3A_252 = arith.constant 288 : index
    %get3A_253 = tpu.vector_load %arg5[%get3A_252] {strides = array<i32>} : memref<1024xi32, #tpu.memory_space<vmem>>, vector<16xi32>,
    %shift_right_logical3A_254 = arith.constant 15 : i32
    %shift_right_logical3A_255 = vector.broadcast %shift_right_logical3A_254 : i32 to vector<16xi32>
    %shift_right_logical3A_256 = arith.shrui %get3A_253, %shift_right_logical3A_255 : vector<16xi32>
    %mul3A_257 = arith.constant 16384 : i32
    %mul3A_258 = vector.broadcast %mul3A_257 : i32 to vector<16xi32>
    %mul3A_259 = arith.muli %shift_right_logical3A_256, %mul3A_258 : vector<16xi32>
    %and3A_260 = arith.constant 16383 : i32
    %and3A_261 = vector.broadcast %and3A_260 : i32 to vector<16xi32>
    %and3A_262 = arith.andi %get3A_253, %and3A_261 : vector<16xi32>
    %add3A_263 = arith.addi %mul3A_259, %and3A_262 : vector<16xi32>
    %swap3A_264 = arith.constant 288 : index
    %swap3A_265 = tpu.vector_load %arg6[%swap3A_264] {strides = array<i32>} : memref<1024xi32, #tpu.memory_space<vmem>>, vector<16xi32>,
    tpu.vector_store %arg6[%swap3A_264], %add3A_263 {strides = array<i32>} : memref<1024xi32, #tpu.memory_space<vmem>>, vector<16xi32>,
    %get3A_266 = arith.constant 304 : index
    %get3A_267 = tpu.vector_load %arg5[%get3A_266] {strides = array<i32>} : memref<1024xi32, #tpu.memory_space<vmem>>, vector<16xi32>,
    %shift_right_logical3A_268 = arith.constant 15 : i32
    %shift_right_logical3A_269 = vector.broadcast %shift_right_logical3A_268 : i32 to vector<16xi32>
    %shift_right_logical3A_270 = arith.shrui %get3A_267, %shift_right_logical3A_269 : vector<16xi32>
    %mul3A_271 = arith.constant 16384 : i32
    %mul3A_272 = vector.broadcast %mul3A_271 : i32 to vector<16xi32>
    %mul3A_273 = arith.muli %shift_right_logical3A_270, %mul3A_272 : vector<16xi32>
    %and3A_274 = arith.constant 16383 : i32
    %and3A_275 = vector.broadcast %and3A_274 : i32 to vector<16xi32>
    %and3A_276 = arith.andi %get3A_267, %and3A_275 : vector<16xi32>
    %add3A_277 = arith.addi %mul3A_273, %and3A_276 : vector<16xi32>
    %swap3A_278 = arith.constant 304 : index
    %swap3A_279 = tpu.vector_load %arg6[%swap3A_278] {strides = array<i32>} : memref<1024xi32, #tpu.memory_space<vmem>>, vector<16xi32>,
    tpu.vector_store %arg6[%swap3A_278], %add3A_277 {strides = array<i32>} : memref<1024xi32, #tpu.memory_space<vmem>>, vector<16xi32>,
    %get3A_280 = arith.constant 320 : index
    %get3A_281 = tpu.vector_load %arg5[%get3A_280] {strides = array<i32>} : memref<1024xi32, #tpu.memory_space<vmem>>, vector<16xi32>,
    %shift_right_logical3A_282 = arith.constant 15 : i32
    %shift_right_logical3A_283 = vector.broadcast %shift_right_logical3A_282 : i32 to vector<16xi32>
    %shift_right_logical3A_284 = arith.shrui %get3A_281, %shift_right_logical3A_283 : vector<16xi32>
    %mul3A_285 = arith.constant 16384 : i32
    %mul3A_286 = vector.broadcast %mul3A_285 : i32 to vector<16xi32>
    %mul3A_287 = arith.muli %shift_right_logical3A_284, %mul3A_286 : vector<16xi32>
    %and3A_288 = arith.constant 16383 : i32
    %and3A_289 = vector.broadcast %and3A_288 : i32 to vector<16xi32>
    %and3A_290 = arith.andi %get3A_281, %and3A_289 : vector<16xi32>
    %add3A_291 = arith.addi %mul3A_287, %and3A_290 : vector<16xi32>
    %swap3A_292 = arith.constant 320 : index
    %swap3A_293 = tpu.vector_load %arg6[%swap3A_292] {strides = array<i32>} : memref<1024xi32, #tpu.memory_space<vmem>>, vector<16xi32>,
    tpu.vector_store %arg6[%swap3A_292], %add3A_291 {strides = array<i32>} : memref<1024xi32, #tpu.memory_space<vmem>>, vector<16xi32>,
    %get3A_294 = arith.constant 336 : index
    %get3A_295 = tpu.vector_load %arg5[%get3A_294] {strides = array<i32>} : memref<1024xi32, #tpu.memory_space<vmem>>, vector<16xi32>,
    %shift_right_logical3A_296 = arith.constant 15 : i32
    %shift_right_logical3A_297 = vector.broadcast %shift_right_logical3A_296 : i32 to vector<16xi32>
    %shift_right_logical3A_298 = arith.shrui %get3A_295, %shift_right_logical3A_297 : vector<16xi32>
    %mul3A_299 = arith.constant 16384 : i32
    %mul3A_300 = vector.broadcast %mul3A_299 : i32 to vector<16xi32>
    %mul3A_301 = arith.muli %shift_right_logical3A_298, %mul3A_300 : vector<16xi32>
    %and3A_302 = arith.constant 16383 : i32
    %and3A_303 = vector.broadcast %and3A_302 : i32 to vector<16xi32>
    %and3A_304 = arith.andi %get3A_295, %and3A_303 : vector<16xi32>
    %add3A_305 = arith.addi %mul3A_301, %and3A_304 : vector<16xi32>
    %swap3A_306 = arith.constant 336 : index
    %swap3A_307 = tpu.vector_load %arg6[%swap3A_306] {strides = array<i32>} : memref<1024xi32, #tpu.memory_space<vmem>>, vector<16xi32>,
    tpu.vector_store %arg6[%swap3A_306], %add3A_305 {strides = array<i32>} : memref<1024xi32, #tpu.memory_space<vmem>>, vector<16xi32>,
    %get3A_308 = arith.constant 352 : index
    %get3A_309 = tpu.vector_load %arg5[%get3A_308] {strides = array<i32>} : memref<1024xi32, #tpu.memory_space<vmem>>, vector<16xi32>,
    %shift_right_logical3A_310 = arith.constant 15 : i32
    %shift_right_logical3A_311 = vector.broadcast %shift_right_logical3A_310 : i32 to vector<16xi32>
    %shift_right_logical3A_312 = arith.shrui %get3A_309, %shift_right_logical3A_311 : vector<16xi32>
    %mul3A_313 = arith.constant 16384 : i32
    %mul3A_314 = vector.broadcast %mul3A_313 : i32 to vector<16xi32>
    %mul3A_315 = arith.muli %shift_right_logical3A_312, %mul3A_314 : vector<16xi32>
    %and3A_316 = arith.constant 16383 : i32
    %and3A_317 = vector.broadcast %and3A_316 : i32 to vector<16xi32>
    %and3A_318 = arith.andi %get3A_309, %and3A_317 : vector<16xi32>
    %add3A_319 = arith.addi %mul3A_315, %and3A_318 : vector<16xi32>
    %swap3A_320 = arith.constant 352 : index
    %swap3A_321 = tpu.vector_load %arg6[%swap3A_320] {strides = array<i32>} : memref<1024xi32, #tpu.memory_space<vmem>>, vector<16xi32>,
    tpu.vector_store %arg6[%swap3A_320], %add3A_319 {strides = array<i32>} : memref<1024xi32, #tpu.memory_space<vmem>>, vector<16xi32>,
    %get3A_322 = arith.constant 368 : index
    %get3A_323 = tpu.vector_load %arg5[%get3A_322] {strides = array<i32>} : memref<1024xi32, #tpu.memory_space<vmem>>, vector<16xi32>,
    %shift_right_logical3A_324 = arith.constant 15 : i32
    %shift_right_logical3A_325 = vector.broadcast %shift_right_logical3A_324 : i32 to vector<16xi32>
    %shift_right_logical3A_326 = arith.shrui %get3A_323, %shift_right_logical3A_325 : vector<16xi32>
    %mul3A_327 = arith.constant 16384 : i32
    %mul3A_328 = vector.broadcast %mul3A_327 : i32 to vector<16xi32>
    %mul3A_329 = arith.muli %shift_right_logical3A_326, %mul3A_328 : vector<16xi32>
    %and3A_330 = arith.constant 16383 : i32
    %and3A_331 = vector.broadcast %and3A_330 : i32 to vector<16xi32>
    %and3A_332 = arith.andi %get3A_323, %and3A_331 : vector<16xi32>
    %add3A_333 = arith.addi %mul3A_329, %and3A_332 : vector<16xi32>
    %swap3A_334 = arith.constant 368 : index
    %swap3A_335 = tpu.vector_load %arg6[%swap3A_334] {strides = array<i32>} : memref<1024xi32, #tpu.memory_space<vmem>>, vector<16xi32>,
    tpu.vector_store %arg6[%swap3A_334], %add3A_333 {strides = array<i32>} : memref<1024xi32, #tpu.memory_space<vmem>>, vector<16xi32>,
    %get3A_336 = arith.constant 384 : index
    %get3A_337 = tpu.vector_load %arg5[%get3A_336] {strides = array<i32>} : memref<1024xi32, #tpu.memory_space<vmem>>, vector<16xi32>,
    %shift_right_logical3A_338 = arith.constant 15 : i32
    %shift_right_logical3A_339 = vector.broadcast %shift_right_logical3A_338 : i32 to vector<16xi32>
    %shift_right_logical3A_340 = arith.shrui %get3A_337, %shift_right_logical3A_339 : vector<16xi32>
    %mul3A_341 = arith.constant 16384 : i32
    %mul3A_342 = vector.broadcast %mul3A_341 : i32 to vector<16xi32>
    %mul3A_343 = arith.muli %shift_right_logical3A_340, %mul3A_342 : vector<16xi32>
    %and3A_344 = arith.constant 16383 : i32
    %and3A_345 = vector.broadcast %and3A_344 : i32 to vector<16xi32>
    %and3A_346 = arith.andi %get3A_337, %and3A_345 : vector<16xi32>
    %add3A_347 = arith.addi %mul3A_343, %and3A_346 : vector<16xi32>
    %swap3A_348 = arith.constant 384 : index
    %swap3A_349 = tpu.vector_load %arg6[%swap3A_348] {strides = array<i32>} : memref<1024xi32, #tpu.memory_space<vmem>>, vector<16xi32>,
    tpu.vector_store %arg6[%swap3A_348], %add3A_347 {strides = array<i32>} : memref<1024xi32, #tpu.memory_space<vmem>>, vector<16xi32>,
    %get3A_350 = arith.constant 400 : index
    %get3A_351 = tpu.vector_load %arg5[%get3A_350] {strides = array<i32>} : memref<1024xi32, #tpu.memory_space<vmem>>, vector<16xi32>,
    %shift_right_logical3A_352 = arith.constant 15 : i32
    %shift_right_logical3A_353 = vector.broadcast %shift_right_logical3A_352 : i32 to vector<16xi32>
    %shift_right_logical3A_354 = arith.shrui %get3A_351, %shift_right_logical3A_353 : vector<16xi32>
    %mul3A_355 = arith.constant 16384 : i32
    %mul3A_356 = vector.broadcast %mul3A_355 : i32 to vector<16xi32>
    %mul3A_357 = arith.muli %shift_right_logical3A_354, %mul3A_356 : vector<16xi32>
    %and3A_358 = arith.constant 16383 : i32
    %and3A_359 = vector.broadcast %and3A_358 : i32 to vector<16xi32>
    %and3A_360 = arith.andi %get3A_351, %and3A_359 : vector<16xi32>
    %add3A_361 = arith.addi %mul3A_357, %and3A_360 : vector<16xi32>
    %swap3A_362 = arith.constant 400 : index
    %swap3A_363 = tpu.vector_load %arg6[%swap3A_362] {strides = array<i32>} : memref<1024xi32, #tpu.memory_space<vmem>>, vector<16xi32>,
    tpu.vector_store %arg6[%swap3A_362], %add3A_361 {strides = array<i32>} : memref<1024xi32, #tpu.memory_space<vmem>>, vector<16xi32>,
    %get3A_364 = arith.constant 416 : index
    %get3A_365 = tpu.vector_load %arg5[%get3A_364] {strides = array<i32>} : memref<1024xi32, #tpu.memory_space<vmem>>, vector<16xi32>,
    %shift_right_logical3A_366 = arith.constant 15 : i32
    %shift_right_logical3A_367 = vector.broadcast %shift_right_logical3A_366 : i32 to vector<16xi32>
    %shift_right_logical3A_368 = arith.shrui %get3A_365, %shift_right_logical3A_367 : vector<16xi32>
    %mul3A_369 = arith.constant 16384 : i32
    %mul3A_370 = vector.broadcast %mul3A_369 : i32 to vector<16xi32>
    %mul3A_371 = arith.muli %shift_right_logical3A_368, %mul3A_370 : vector<16xi32>
    %and3A_372 = arith.constant 16383 : i32
    %and3A_373 = vector.broadcast %and3A_372 : i32 to vector<16xi32>
    %and3A_374 = arith.andi %get3A_365, %and3A_373 : vector<16xi32>
    %add3A_375 = arith.addi %mul3A_371, %and3A_374 : vector<16xi32>
    %swap3A_376 = arith.constant 416 : index
    %swap3A_377 = tpu.vector_load %arg6[%swap3A_376] {strides = array<i32>} : memref<1024xi32, #tpu.memory_space<vmem>>, vector<16xi32>,
    tpu.vector_store %arg6[%swap3A_376], %add3A_375 {strides = array<i32>} : memref<1024xi32, #tpu.memory_space<vmem>>, vector<16xi32>,
    %get3A_378 = arith.constant 432 : index
    %get3A_379 = tpu.vector_load %arg5[%get3A_378] {strides = array<i32>} : memref<1024xi32, #tpu.memory_space<vmem>>, vector<16xi32>,
    %shift_right_logical3A_380 = arith.constant 15 : i32
    %shift_right_logical3A_381 = vector.broadcast %shift_right_logical3A_380 : i32 to vector<16xi32>
    %shift_right_logical3A_382 = arith.shrui %get3A_379, %shift_right_logical3A_381 : vector<16xi32>
    %mul3A_383 = arith.constant 16384 : i32
    %mul3A_384 = vector.broadcast %mul3A_383 : i32 to vector<16xi32>
    %mul3A_385 = arith.muli %shift_right_logical3A_382, %mul3A_384 : vector<16xi32>
    %and3A_386 = arith.constant 16383 : i32
    %and3A_387 = vector.broadcast %and3A_386 : i32 to vector<16xi32>
    %and3A_388 = arith.andi %get3A_379, %and3A_387 : vector<16xi32>
    %add3A_389 = arith.addi %mul3A_385, %and3A_388 : vector<16xi32>
    %swap3A_390 = arith.constant 432 : index
    %swap3A_391 = tpu.vector_load %arg6[%swap3A_390] {strides = array<i32>} : memref<1024xi32, #tpu.memory_space<vmem>>, vector<16xi32>,
    tpu.vector_store %arg6[%swap3A_390], %add3A_389 {strides = array<i32>} : memref<1024xi32, #tpu.memory_space<vmem>>, vector<16xi32>,
    %get3A_392 = arith.constant 448 : index
    %get3A_393 = tpu.vector_load %arg5[%get3A_392] {strides = array<i32>} : memref<1024xi32, #tpu.memory_space<vmem>>, vector<16xi32>,
    %shift_right_logical3A_394 = arith.constant 15 : i32
    %shift_right_logical3A_395 = vector.broadcast %shift_right_logical3A_394 : i32 to vector<16xi32>
    %shift_right_logical3A_396 = arith.shrui %get3A_393, %shift_right_logical3A_395 : vector<16xi32>
    %mul3A_397 = arith.constant 16384 : i32
    %mul3A_398 = vector.broadcast %mul3A_397 : i32 to vector<16xi32>
    %mul3A_399 = arith.muli %shift_right_logical3A_396, %mul3A_398 : vector<16xi32>
    %and3A_400 = arith.constant 16383 : i32
    %and3A_401 = vector.broadcast %and3A_400 : i32 to vector<16xi32>
    %and3A_402 = arith.andi %get3A_393, %and3A_401 : vector<16xi32>
    %add3A_403 = arith.addi %mul3A_399, %and3A_402 : vector<16xi32>
    %swap3A_404 = arith.constant 448 : index
    %swap3A_405 = tpu.vector_load %arg6[%swap3A_404] {strides = array<i32>} : memref<1024xi32, #tpu.memory_space<vmem>>, vector<16xi32>,
    tpu.vector_store %arg6[%swap3A_404], %add3A_403 {strides = array<i32>} : memref<1024xi32, #tpu.memory_space<vmem>>, vector<16xi32>,
    %get3A_406 = arith.constant 464 : index
    %get3A_407 = tpu.vector_load %arg5[%get3A_406] {strides = array<i32>} : memref<1024xi32, #tpu.memory_space<vmem>>, vector<16xi32>,
    %shift_right_logical3A_408 = arith.constant 15 : i32
    %shift_right_logical3A_409 = vector.broadcast %shift_right_logical3A_408 : i32 to vector<16xi32>
    %shift_right_logical3A_410 = arith.shrui %get3A_407, %shift_right_logical3A_409 : vector<16xi32>
    %mul3A_411 = arith.constant 16384 : i32
    %mul3A_412 = vector.broadcast %mul3A_411 : i32 to vector<16xi32>
    %mul3A_413 = arith.muli %shift_right_logical3A_410, %mul3A_412 : vector<16xi32>
    %and3A_414 = arith.constant 16383 : i32
    %and3A_415 = vector.broadcast %and3A_414 : i32 to vector<16xi32>
    %and3A_416 = arith.andi %get3A_407, %and3A_415 : vector<16xi32>
    %add3A_417 = arith.addi %mul3A_413, %and3A_416 : vector<16xi32>
    %swap3A_418 = arith.constant 464 : index
    %swap3A_419 = tpu.vector_load %arg6[%swap3A_418] {strides = array<i32>} : memref<1024xi32, #tpu.memory_space<vmem>>, vector<16xi32>,
    tpu.vector_store %arg6[%swap3A_418], %add3A_417 {strides = array<i32>} : memref<1024xi32, #tpu.memory_space<vmem>>, vector<16xi32>,
    %get3A_420 = arith.constant 480 : index
    %get3A_421 = tpu.vector_load %arg5[%get3A_420] {strides = array<i32>} : memref<1024xi32, #tpu.memory_space<vmem>>, vector<16xi32>,
    %shift_right_logical3A_422 = arith.constant 15 : i32
    %shift_right_logical3A_423 = vector.broadcast %shift_right_logical3A_422 : i32 to vector<16xi32>
    %shift_right_logical3A_424 = arith.shrui %get3A_421, %shift_right_logical3A_423 : vector<16xi32>
    %mul3A_425 = arith.constant 16384 : i32
    %mul3A_426 = vector.broadcast %mul3A_425 : i32 to vector<16xi32>
    %mul3A_427 = arith.muli %shift_right_logical3A_424, %mul3A_426 : vector<16xi32>
    %and3A_428 = arith.constant 16383 : i32
    %and3A_429 = vector.broadcast %and3A_428 : i32 to vector<16xi32>
    %and3A_430 = arith.andi %get3A_421, %and3A_429 : vector<16xi32>
    %add3A_431 = arith.addi %mul3A_427, %and3A_430 : vector<16xi32>
    %swap3A_432 = arith.constant 480 : index
    %swap3A_433 = tpu.vector_load %arg6[%swap3A_432] {strides = array<i32>} : memref<1024xi32, #tpu.memory_space<vmem>>, vector<16xi32>,
    tpu.vector_store %arg6[%swap3A_432], %add3A_431 {strides = array<i32>} : memref<1024xi32, #tpu.memory_space<vmem>>, vector<16xi32>,
    %get3A_434 = arith.constant 496 : index
    %get3A_435 = tpu.vector_load %arg5[%get3A_434] {strides = array<i32>} : memref<1024xi32, #tpu.memory_space<vmem>>, vector<16xi32>,
    %shift_right_logical3A_436 = arith.constant 15 : i32
    %shift_right_logical3A_437 = vector.broadcast %shift_right_logical3A_436 : i32 to vector<16xi32>
    %shift_right_logical3A_438 = arith.shrui %get3A_435, %shift_right_logical3A_437 : vector<16xi32>
    %mul3A_439 = arith.constant 16384 : i32
    %mul3A_440 = vector.broadcast %mul3A_439 : i32 to vector<16xi32>
    %mul3A_441 = arith.muli %shift_right_logical3A_438, %mul3A_440 : vector<16xi32>
    %and3A_442 = arith.constant 16383 : i32
    %and3A_443 = vector.broadcast %and3A_442 : i32 to vector<16xi32>
    %and3A_444 = arith.andi %get3A_435, %and3A_443 : vector<16xi32>
    %add3A_445 = arith.addi %mul3A_441, %and3A_444 : vector<16xi32>
    %swap3A_446 = arith.constant 496 : index
    %swap3A_447 = tpu.vector_load %arg6[%swap3A_446] {strides = array<i32>} : memref<1024xi32, #tpu.memory_space<vmem>>, vector<16xi32>,
    tpu.vector_store %arg6[%swap3A_446], %add3A_445 {strides = array<i32>} : memref<1024xi32, #tpu.memory_space<vmem>>, vector<16xi32>,
    %get3A_448 = arith.constant 512 : index
    %get3A_449 = tpu.vector_load %arg5[%get3A_448] {strides = array<i32>} : memref<1024xi32, #tpu.memory_space<vmem>>, vector<16xi32>,
    %shift_right_logical3A_450 = arith.constant 15 : i32
    %shift_right_logical3A_451 = vector.broadcast %shift_right_logical3A_450 : i32 to vector<16xi32>
    %shift_right_logical3A_452 = arith.shrui %get3A_449, %shift_right_logical3A_451 : vector<16xi32>
    %mul3A_453 = arith.constant 16384 : i32
    %mul3A_454 = vector.broadcast %mul3A_453 : i32 to vector<16xi32>
    %mul3A_455 = arith.muli %shift_right_logical3A_452, %mul3A_454 : vector<16xi32>
    %and3A_456 = arith.constant 16383 : i32
    %and3A_457 = vector.broadcast %and3A_456 : i32 to vector<16xi32>
    %and3A_458 = arith.andi %get3A_449, %and3A_457 : vector<16xi32>
    %add3A_459 = arith.addi %mul3A_455, %and3A_458 : vector<16xi32>
    %swap3A_460 = arith.constant 512 : index
    %swap3A_461 = tpu.vector_load %arg6[%swap3A_460] {strides = array<i32>} : memref<1024xi32, #tpu.memory_space<vmem>>, vector<16xi32>,
    tpu.vector_store %arg6[%swap3A_460], %add3A_459 {strides = array<i32>} : memref<1024xi32, #tpu.memory_space<vmem>>, vector<16xi32>,
    %get3A_462 = arith.constant 528 : index
    %get3A_463 = tpu.vector_load %arg5[%get3A_462] {strides = array<i32>} : memref<1024xi32, #tpu.memory_space<vmem>>, vector<16xi32>,
    %shift_right_logical3A_464 = arith.constant 15 : i32
    %shift_right_logical3A_465 = vector.broadcast %shift_right_logical3A_464 : i32 to vector<16xi32>
    %shift_right_logical3A_466 = arith.shrui %get3A_463, %shift_right_logical3A_465 : vector<16xi32>
    %mul3A_467 = arith.constant 16384 : i32
    %mul3A_468 = vector.broadcast %mul3A_467 : i32 to vector<16xi32>
    %mul3A_469 = arith.muli %shift_right_logical3A_466, %mul3A_468 : vector<16xi32>
    %and3A_470 = arith.constant 16383 : i32
    %and3A_471 = vector.broadcast %and3A_470 : i32 to vector<16xi32>
    %and3A_472 = arith.andi %get3A_463, %and3A_471 : vector<16xi32>
    %add3A_473 = arith.addi %mul3A_469, %and3A_472 : vector<16xi32>
    %swap3A_474 = arith.constant 528 : index
    %swap3A_475 = tpu.vector_load %arg6[%swap3A_474] {strides = array<i32>} : memref<1024xi32, #tpu.memory_space<vmem>>, vector<16xi32>,
    tpu.vector_store %arg6[%swap3A_474], %add3A_473 {strides = array<i32>} : memref<1024xi32, #tpu.memory_space<vmem>>, vector<16xi32>,
    %get3A_476 = arith.constant 544 : index
    %get3A_477 = tpu.vector_load %arg5[%get3A_476] {strides = array<i32>} : memref<1024xi32, #tpu.memory_space<vmem>>, vector<16xi32>,
    %shift_right_logical3A_478 = arith.constant 15 : i32
    %shift_right_logical3A_479 = vector.broadcast %shift_right_logical3A_478 : i32 to vector<16xi32>
    %shift_right_logical3A_480 = arith.shrui %get3A_477, %shift_right_logical3A_479 : vector<16xi32>
    %mul3A_481 = arith.constant 16384 : i32
    %mul3A_482 = vector.broadcast %mul3A_481 : i32 to vector<16xi32>
    %mul3A_483 = arith.muli %shift_right_logical3A_480, %mul3A_482 : vector<16xi32>
    %and3A_484 = arith.constant 16383 : i32
    %and3A_485 = vector.broadcast %and3A_484 : i32 to vector<16xi32>
    %and3A_486 = arith.andi %get3A_477, %and3A_485 : vector<16xi32>
    %add3A_487 = arith.addi %mul3A_483, %and3A_486 : vector<16xi32>
    %swap3A_488 = arith.constant 544 : index
    %swap3A_489 = tpu.vector_load %arg6[%swap3A_488] {strides = array<i32>} : memref<1024xi32, #tpu.memory_space<vmem>>, vector<16xi32>,
    tpu.vector_store %arg6[%swap3A_488], %add3A_487 {strides = array<i32>} : memref<1024xi32, #tpu.memory_space<vmem>>, vector<16xi32>,
    %get3A_490 = arith.constant 560 : index
    %get3A_491 = tpu.vector_load %arg5[%get3A_490] {strides = array<i32>} : memref<1024xi32, #tpu.memory_space<vmem>>, vector<16xi32>,
    %shift_right_logical3A_492 = arith.constant 15 : i32
    %shift_right_logical3A_493 = vector.broadcast %shift_right_logical3A_492 : i32 to vector<16xi32>
    %shift_right_logical3A_494 = arith.shrui %get3A_491, %shift_right_logical3A_493 : vector<16xi32>
    %mul3A_495 = arith.constant 16384 : i32
    %mul3A_496 = vector.broadcast %mul3A_495 : i32 to vector<16xi32>
    %mul3A_497 = arith.muli %shift_right_logical3A_494, %mul3A_496 : vector<16xi32>
    %and3A_498 = arith.constant 16383 : i32
    %and3A_499 = vector.broadcast %and3A_498 : i32 to vector<16xi32>
    %and3A_500 = arith.andi %get3A_491, %and3A_499 : vector<16xi32>
    %add3A_501 = arith.addi %mul3A_497, %and3A_500 : vector<16xi32>
    %swap3A_502 = arith.constant 560 : index
    %swap3A_503 = tpu.vector_load %arg6[%swap3A_502] {strides = array<i32>} : memref<1024xi32, #tpu.memory_space<vmem>>, vector<16xi32>,
    tpu.vector_store %arg6[%swap3A_502], %add3A_501 {strides = array<i32>} : memref<1024xi32, #tpu.memory_space<vmem>>, vector<16xi32>,
    %get3A_504 = arith.constant 576 : index
    %get3A_505 = tpu.vector_load %arg5[%get3A_504] {strides = array<i32>} : memref<1024xi32, #tpu.memory_space<vmem>>, vector<16xi32>,
    %shift_right_logical3A_506 = arith.constant 15 : i32
    %shift_right_logical3A_507 = vector.broadcast %shift_right_logical3A_506 : i32 to vector<16xi32>
    %shift_right_logical3A_508 = arith.shrui %get3A_505, %shift_right_logical3A_507 : vector<16xi32>
    %mul3A_509 = arith.constant 16384 : i32
    %mul3A_510 = vector.broadcast %mul3A_509 : i32 to vector<16xi32>
    %mul3A_511 = arith.muli %shift_right_logical3A_508, %mul3A_510 : vector<16xi32>
    %and3A_512 = arith.constant 16383 : i32
    %and3A_513 = vector.broadcast %and3A_512 : i32 to vector<16xi32>
    %and3A_514 = arith.andi %get3A_505, %and3A_513 : vector<16xi32>
    %add3A_515 = arith.addi %mul3A_511, %and3A_514 : vector<16xi32>
    %swap3A_516 = arith.constant 576 : index
    %swap3A_517 = tpu.vector_load %arg6[%swap3A_516] {strides = array<i32>} : memref<1024xi32, #tpu.memory_space<vmem>>, vector<16xi32>,
    tpu.vector_store %arg6[%swap3A_516], %add3A_515 {strides = array<i32>} : memref<1024xi32, #tpu.memory_space<vmem>>, vector<16xi32>,
    %get3A_518 = arith.constant 592 : index
    %get3A_519 = tpu.vector_load %arg5[%get3A_518] {strides = array<i32>} : memref<1024xi32, #tpu.memory_space<vmem>>, vector<16xi32>,
    %shift_right_logical3A_520 = arith.constant 15 : i32
    %shift_right_logical3A_521 = vector.broadcast %shift_right_logical3A_520 : i32 to vector<16xi32>
    %shift_right_logical3A_522 = arith.shrui %get3A_519, %shift_right_logical3A_521 : vector<16xi32>
    %mul3A_523 = arith.constant 16384 : i32
    %mul3A_524 = vector.broadcast %mul3A_523 : i32 to vector<16xi32>
    %mul3A_525 = arith.muli %shift_right_logical3A_522, %mul3A_524 : vector<16xi32>
    %and3A_526 = arith.constant 16383 : i32
    %and3A_527 = vector.broadcast %and3A_526 : i32 to vector<16xi32>
    %and3A_528 = arith.andi %get3A_519, %and3A_527 : vector<16xi32>
    %add3A_529 = arith.addi %mul3A_525, %and3A_528 : vector<16xi32>
    %swap3A_530 = arith.constant 592 : index
    %swap3A_531 = tpu.vector_load %arg6[%swap3A_530] {strides = array<i32>} : memref<1024xi32, #tpu.memory_space<vmem>>, vector<16xi32>,
    tpu.vector_store %arg6[%swap3A_530], %add3A_529 {strides = array<i32>} : memref<1024xi32, #tpu.memory_space<vmem>>, vector<16xi32>,
    %get3A_532 = arith.constant 608 : index
    %get3A_533 = tpu.vector_load %arg5[%get3A_532] {strides = array<i32>} : memref<1024xi32, #tpu.memory_space<vmem>>, vector<16xi32>,
    %shift_right_logical3A_534 = arith.constant 15 : i32
    %shift_right_logical3A_535 = vector.broadcast %shift_right_logical3A_534 : i32 to vector<16xi32>
    %shift_right_logical3A_536 = arith.shrui %get3A_533, %shift_right_logical3A_535 : vector<16xi32>
    %mul3A_537 = arith.constant 16384 : i32
    %mul3A_538 = vector.broadcast %mul3A_537 : i32 to vector<16xi32>
    %mul3A_539 = arith.muli %shift_right_logical3A_536, %mul3A_538 : vector<16xi32>
    %and3A_540 = arith.constant 16383 : i32
    %and3A_541 = vector.broadcast %and3A_540 : i32 to vector<16xi32>
    %and3A_542 = arith.andi %get3A_533, %and3A_541 : vector<16xi32>
    %add3A_543 = arith.addi %mul3A_539, %and3A_542 : vector<16xi32>
    %swap3A_544 = arith.constant 608 : index
    %swap3A_545 = tpu.vector_load %arg6[%swap3A_544] {strides = array<i32>} : memref<1024xi32, #tpu.memory_space<vmem>>, vector<16xi32>,
    tpu.vector_store %arg6[%swap3A_544], %add3A_543 {strides = array<i32>} : memref<1024xi32, #tpu.memory_space<vmem>>, vector<16xi32>,
    %get3A_546 = arith.constant 624 : index
    %get3A_547 = tpu.vector_load %arg5[%get3A_546] {strides = array<i32>} : memref<1024xi32, #tpu.memory_space<vmem>>, vector<16xi32>,
    %shift_right_logical3A_548 = arith.constant 15 : i32
    %shift_right_logical3A_549 = vector.broadcast %shift_right_logical3A_548 : i32 to vector<16xi32>
    %shift_right_logical3A_550 = arith.shrui %get3A_547, %shift_right_logical3A_549 : vector<16xi32>
    %mul3A_551 = arith.constant 16384 : i32
    %mul3A_552 = vector.broadcast %mul3A_551 : i32 to vector<16xi32>
    %mul3A_553 = arith.muli %shift_right_logical3A_550, %mul3A_552 : vector<16xi32>
    %and3A_554 = arith.constant 16383 : i32
    %and3A_555 = vector.broadcast %and3A_554 : i32 to vector<16xi32>
    %and3A_556 = arith.andi %get3A_547, %and3A_555 : vector<16xi32>
    %add3A_557 = arith.addi %mul3A_553, %and3A_556 : vector<16xi32>
    %swap3A_558 = arith.constant 624 : index
    %swap3A_559 = tpu.vector_load %arg6[%swap3A_558] {strides = array<i32>} : memref<1024xi32, #tpu.memory_space<vmem>>, vector<16xi32>,
    tpu.vector_store %arg6[%swap3A_558], %add3A_557 {strides = array<i32>} : memref<1024xi32, #tpu.memory_space<vmem>>, vector<16xi32>,
    %get3A_560 = arith.constant 640 : index
    %get3A_561 = tpu.vector_load %arg5[%get3A_560] {strides = array<i32>} : memref<1024xi32, #tpu.memory_space<vmem>>, vector<16xi32>,
    %shift_right_logical3A_562 = arith.constant 15 : i32
    %shift_right_logical3A_563 = vector.broadcast %shift_right_logical3A_562 : i32 to vector<16xi32>
    %shift_right_logical3A_564 = arith.shrui %get3A_561, %shift_right_logical3A_563 : vector<16xi32>
    %mul3A_565 = arith.constant 16384 : i32
    %mul3A_566 = vector.broadcast %mul3A_565 : i32 to vector<16xi32>
    %mul3A_567 = arith.muli %shift_right_logical3A_564, %mul3A_566 : vector<16xi32>
    %and3A_568 = arith.constant 16383 : i32
    %and3A_569 = vector.broadcast %and3A_568 : i32 to vector<16xi32>
    %and3A_570 = arith.andi %get3A_561, %and3A_569 : vector<16xi32>
    %add3A_571 = arith.addi %mul3A_567, %and3A_570 : vector<16xi32>
    %swap3A_572 = arith.constant 640 : index
    %swap3A_573 = tpu.vector_load %arg6[%swap3A_572] {strides = array<i32>} : memref<1024xi32, #tpu.memory_space<vmem>>, vector<16xi32>,
    tpu.vector_store %arg6[%swap3A_572], %add3A_571 {strides = array<i32>} : memref<1024xi32, #tpu.memory_space<vmem>>, vector<16xi32>,
    %get3A_574 = arith.constant 656 : index
    %get3A_575 = tpu.vector_load %arg5[%get3A_574] {strides = array<i32>} : memref<1024xi32, #tpu.memory_space<vmem>>, vector<16xi32>,
    %shift_right_logical3A_576 = arith.constant 15 : i32
    %shift_right_logical3A_577 = vector.broadcast %shift_right_logical3A_576 : i32 to vector<16xi32>
    %shift_right_logical3A_578 = arith.shrui %get3A_575, %shift_right_logical3A_577 : vector<16xi32>
    %mul3A_579 = arith.constant 16384 : i32
    %mul3A_580 = vector.broadcast %mul3A_579 : i32 to vector<16xi32>
    %mul3A_581 = arith.muli %shift_right_logical3A_578, %mul3A_580 : vector<16xi32>
    %and3A_582 = arith.constant 16383 : i32
    %and3A_583 = vector.broadcast %and3A_582 : i32 to vector<16xi32>
    %and3A_584 = arith.andi %get3A_575, %and3A_583 : vector<16xi32>
    %add3A_585 = arith.addi %mul3A_581, %and3A_584 : vector<16xi32>
    %swap3A_586 = arith.constant 656 : index
    %swap3A_587 = tpu.vector_load %arg6[%swap3A_586] {strides = array<i32>} : memref<1024xi32, #tpu.memory_space<vmem>>, vector<16xi32>,
    tpu.vector_store %arg6[%swap3A_586], %add3A_585 {strides = array<i32>} : memref<1024xi32, #tpu.memory_space<vmem>>, vector<16xi32>,
    %get3A_588 = arith.constant 672 : index
    %get3A_589 = tpu.vector_load %arg5[%get3A_588] {strides = array<i32>} : memref<1024xi32, #tpu.memory_space<vmem>>, vector<16xi32>,
    %shift_right_logical3A_590 = arith.constant 15 : i32
    %shift_right_logical3A_591 = vector.broadcast %shift_right_logical3A_590 : i32 to vector<16xi32>
    %shift_right_logical3A_592 = arith.shrui %get3A_589, %shift_right_logical3A_591 : vector<16xi32>
    %mul3A_593 = arith.constant 16384 : i32
    %mul3A_594 = vector.broadcast %mul3A_593 : i32 to vector<16xi32>
    %mul3A_595 = arith.muli %shift_right_logical3A_592, %mul3A_594 : vector<16xi32>
    %and3A_596 = arith.constant 16383 : i32
    %and3A_597 = vector.broadcast %and3A_596 : i32 to vector<16xi32>
    %and3A_598 = arith.andi %get3A_589, %and3A_597 : vector<16xi32>
    %add3A_599 = arith.addi %mul3A_595, %and3A_598 : vector<16xi32>
    %swap3A_600 = arith.constant 672 : index
    %swap3A_601 = tpu.vector_load %arg6[%swap3A_600] {strides = array<i32>} : memref<1024xi32, #tpu.memory_space<vmem>>, vector<16xi32>,
    tpu.vector_store %arg6[%swap3A_600], %add3A_599 {strides = array<i32>} : memref<1024xi32, #tpu.memory_space<vmem>>, vector<16xi32>,
    %get3A_602 = arith.constant 688 : index
    %get3A_603 = tpu.vector_load %arg5[%get3A_602] {strides = array<i32>} : memref<1024xi32, #tpu.memory_space<vmem>>, vector<16xi32>,
    %shift_right_logical3A_604 = arith.constant 15 : i32
    %shift_right_logical3A_605 = vector.broadcast %shift_right_logical3A_604 : i32 to vector<16xi32>
    %shift_right_logical3A_606 = arith.shrui %get3A_603, %shift_right_logical3A_605 : vector<16xi32>
    %mul3A_607 = arith.constant 16384 : i32
    %mul3A_608 = vector.broadcast %mul3A_607 : i32 to vector<16xi32>
    %mul3A_609 = arith.muli %shift_right_logical3A_606, %mul3A_608 : vector<16xi32>
    %and3A_610 = arith.constant 16383 : i32
    %and3A_611 = vector.broadcast %and3A_610 : i32 to vector<16xi32>
    %and3A_612 = arith.andi %get3A_603, %and3A_611 : vector<16xi32>
    %add3A_613 = arith.addi %mul3A_609, %and3A_612 : vector<16xi32>
    %swap3A_614 = arith.constant 688 : index
    %swap3A_615 = tpu.vector_load %arg6[%swap3A_614] {strides = array<i32>} : memref<1024xi32, #tpu.memory_space<vmem>>, vector<16xi32>,
    tpu.vector_store %arg6[%swap3A_614], %add3A_613 {strides = array<i32>} : memref<1024xi32, #tpu.memory_space<vmem>>, vector<16xi32>,
    %get3A_616 = arith.constant 704 : index
    %get3A_617 = tpu.vector_load %arg5[%get3A_616] {strides = array<i32>} : memref<1024xi32, #tpu.memory_space<vmem>>, vector<16xi32>,
    %shift_right_logical3A_618 = arith.constant 15 : i32
    %shift_right_logical3A_619 = vector.broadcast %shift_right_logical3A_618 : i32 to vector<16xi32>
    %shift_right_logical3A_620 = arith.shrui %get3A_617, %shift_right_logical3A_619 : vector<16xi32>
    %mul3A_621 = arith.constant 16384 : i32
    %mul3A_622 = vector.broadcast %mul3A_621 : i32 to vector<16xi32>
    %mul3A_623 = arith.muli %shift_right_logical3A_620, %mul3A_622 : vector<16xi32>
    %and3A_624 = arith.constant 16383 : i32
    %and3A_625 = vector.broadcast %and3A_624 : i32 to vector<16xi32>
    %and3A_626 = arith.andi %get3A_617, %and3A_625 : vector<16xi32>
    %add3A_627 = arith.addi %mul3A_623, %and3A_626 : vector<16xi32>
    %swap3A_628 = arith.constant 704 : index
    %swap3A_629 = tpu.vector_load %arg6[%swap3A_628] {strides = array<i32>} : memref<1024xi32, #tpu.memory_space<vmem>>, vector<16xi32>,
    tpu.vector_store %arg6[%swap3A_628], %add3A_627 {strides = array<i32>} : memref<1024xi32, #tpu.memory_space<vmem>>, vector<16xi32>,
    %get3A_630 = arith.constant 720 : index
    %get3A_631 = tpu.vector_load %arg5[%get3A_630] {strides = array<i32>} : memref<1024xi32, #tpu.memory_space<vmem>>, vector<16xi32>,
    %shift_right_logical3A_632 = arith.constant 15 : i32
    %shift_right_logical3A_633 = vector.broadcast %shift_right_logical3A_632 : i32 to vector<16xi32>
    %shift_right_logical3A_634 = arith.shrui %get3A_631, %shift_right_logical3A_633 : vector<16xi32>
    %mul3A_635 = arith.constant 16384 : i32
    %mul3A_636 = vector.broadcast %mul3A_635 : i32 to vector<16xi32>
    %mul3A_637 = arith.muli %shift_right_logical3A_634, %mul3A_636 : vector<16xi32>
    %and3A_638 = arith.constant 16383 : i32
    %and3A_639 = vector.broadcast %and3A_638 : i32 to vector<16xi32>
    %and3A_640 = arith.andi %get3A_631, %and3A_639 : vector<16xi32>
    %add3A_641 = arith.addi %mul3A_637, %and3A_640 : vector<16xi32>
    %swap3A_642 = arith.constant 720 : index
    %swap3A_643 = tpu.vector_load %arg6[%swap3A_642] {strides = array<i32>} : memref<1024xi32, #tpu.memory_space<vmem>>, vector<16xi32>,
    tpu.vector_store %arg6[%swap3A_642], %add3A_641 {strides = array<i32>} : memref<1024xi32, #tpu.memory_space<vmem>>, vector<16xi32>,
    %get3A_644 = arith.constant 736 : index
    %get3A_645 = tpu.vector_load %arg5[%get3A_644] {strides = array<i32>} : memref<1024xi32, #tpu.memory_space<vmem>>, vector<16xi32>,
    %shift_right_logical3A_646 = arith.constant 15 : i32
    %shift_right_logical3A_647 = vector.broadcast %shift_right_logical3A_646 : i32 to vector<16xi32>
    %shift_right_logical3A_648 = arith.shrui %get3A_645, %shift_right_logical3A_647 : vector<16xi32>
    %mul3A_649 = arith.constant 16384 : i32
    %mul3A_650 = vector.broadcast %mul3A_649 : i32 to vector<16xi32>
    %mul3A_651 = arith.muli %shift_right_logical3A_648, %mul3A_650 : vector<16xi32>
    %and3A_652 = arith.constant 16383 : i32
    %and3A_653 = vector.broadcast %and3A_652 : i32 to vector<16xi32>
    %and3A_654 = arith.andi %get3A_645, %and3A_653 : vector<16xi32>
    %add3A_655 = arith.addi %mul3A_651, %and3A_654 : vector<16xi32>
    %swap3A_656 = arith.constant 736 : index
    %swap3A_657 = tpu.vector_load %arg6[%swap3A_656] {strides = array<i32>} : memref<1024xi32, #tpu.memory_space<vmem>>, vector<16xi32>,
    tpu.vector_store %arg6[%swap3A_656], %add3A_655 {strides = array<i32>} : memref<1024xi32, #tpu.memory_space<vmem>>, vector<16xi32>,
    %get3A_658 = arith.constant 752 : index
    %get3A_659 = tpu.vector_load %arg5[%get3A_658] {strides = array<i32>} : memref<1024xi32, #tpu.memory_space<vmem>>, vector<16xi32>,
    %shift_right_logical3A_660 = arith.constant 15 : i32
    %shift_right_logical3A_661 = vector.broadcast %shift_right_logical3A_660 : i32 to vector<16xi32>
    %shift_right_logical3A_662 = arith.shrui %get3A_659, %shift_right_logical3A_661 : vector<16xi32>
    %mul3A_663 = arith.constant 16384 : i32
    %mul3A_664 = vector.broadcast %mul3A_663 : i32 to vector<16xi32>
    %mul3A_665 = arith.muli %shift_right_logical3A_662, %mul3A_664 : vector<16xi32>
    %and3A_666 = arith.constant 16383 : i32
    %and3A_667 = vector.broadcast %and3A_666 : i32 to vector<16xi32>
    %and3A_668 = arith.andi %get3A_659, %and3A_667 : vector<16xi32>
    %add3A_669 = arith.addi %mul3A_665, %and3A_668 : vector<16xi32>
    %swap3A_670 = arith.constant 752 : index
    %swap3A_671 = tpu.vector_load %arg6[%swap3A_670] {strides = array<i32>} : memref<1024xi32, #tpu.memory_space<vmem>>, vector<16xi32>,
    tpu.vector_store %arg6[%swap3A_670], %add3A_669 {strides = array<i32>} : memref<1024xi32, #tpu.memory_space<vmem>>, vector<16xi32>,
    %get3A_672 = arith.constant 768 : index
    %get3A_673 = tpu.vector_load %arg5[%get3A_672] {strides = array<i32>} : memref<1024xi32, #tpu.memory_space<vmem>>, vector<16xi32>,
    %shift_right_logical3A_674 = arith.constant 15 : i32
    %shift_right_logical3A_675 = vector.broadcast %shift_right_logical3A_674 : i32 to vector<16xi32>
    %shift_right_logical3A_676 = arith.shrui %get3A_673, %shift_right_logical3A_675 : vector<16xi32>
    %mul3A_677 = arith.constant 16384 : i32
    %mul3A_678 = vector.broadcast %mul3A_677 : i32 to vector<16xi32>
    %mul3A_679 = arith.muli %shift_right_logical3A_676, %mul3A_678 : vector<16xi32>
    %and3A_680 = arith.constant 16383 : i32
    %and3A_681 = vector.broadcast %and3A_680 : i32 to vector<16xi32>
    %and3A_682 = arith.andi %get3A_673, %and3A_681 : vector<16xi32>
    %add3A_683 = arith.addi %mul3A_679, %and3A_682 : vector<16xi32>
    %swap3A_684 = arith.constant 768 : index
    %swap3A_685 = tpu.vector_load %arg6[%swap3A_684] {strides = array<i32>} : memref<1024xi32, #tpu.memory_space<vmem>>, vector<16xi32>,
    tpu.vector_store %arg6[%swap3A_684], %add3A_683 {strides = array<i32>} : memref<1024xi32, #tpu.memory_space<vmem>>, vector<16xi32>,
    %get3A_686 = arith.constant 784 : index
    %get3A_687 = tpu.vector_load %arg5[%get3A_686] {strides = array<i32>} : memref<1024xi32, #tpu.memory_space<vmem>>, vector<16xi32>,
    %shift_right_logical3A_688 = arith.constant 15 : i32
    %shift_right_logical3A_689 = vector.broadcast %shift_right_logical3A_688 : i32 to vector<16xi32>
    %shift_right_logical3A_690 = arith.shrui %get3A_687, %shift_right_logical3A_689 : vector<16xi32>
    %mul3A_691 = arith.constant 16384 : i32
    %mul3A_692 = vector.broadcast %mul3A_691 : i32 to vector<16xi32>
    %mul3A_693 = arith.muli %shift_right_logical3A_690, %mul3A_692 : vector<16xi32>
    %and3A_694 = arith.constant 16383 : i32
    %and3A_695 = vector.broadcast %and3A_694 : i32 to vector<16xi32>
    %and3A_696 = arith.andi %get3A_687, %and3A_695 : vector<16xi32>
    %add3A_697 = arith.addi %mul3A_693, %and3A_696 : vector<16xi32>
    %swap3A_698 = arith.constant 784 : index
    %swap3A_699 = tpu.vector_load %arg6[%swap3A_698] {strides = array<i32>} : memref<1024xi32, #tpu.memory_space<vmem>>, vector<16xi32>,
    tpu.vector_store %arg6[%swap3A_698], %add3A_697 {strides = array<i32>} : memref<1024xi32, #tpu.memory_space<vmem>>, vector<16xi32>,
    %get3A_700 = arith.constant 800 : index
    %get3A_701 = tpu.vector_load %arg5[%get3A_700] {strides = array<i32>} : memref<1024xi32, #tpu.memory_space<vmem>>, vector<16xi32>,
    %shift_right_logical3A_702 = arith.constant 15 : i32
    %shift_right_logical3A_703 = vector.broadcast %shift_right_logical3A_702 : i32 to vector<16xi32>
    %shift_right_logical3A_704 = arith.shrui %get3A_701, %shift_right_logical3A_703 : vector<16xi32>
    %mul3A_705 = arith.constant 16384 : i32
    %mul3A_706 = vector.broadcast %mul3A_705 : i32 to vector<16xi32>
    %mul3A_707 = arith.muli %shift_right_logical3A_704, %mul3A_706 : vector<16xi32>
    %and3A_708 = arith.constant 16383 : i32
    %and3A_709 = vector.broadcast %and3A_708 : i32 to vector<16xi32>
    %and3A_710 = arith.andi %get3A_701, %and3A_709 : vector<16xi32>
    %add3A_711 = arith.addi %mul3A_707, %and3A_710 : vector<16xi32>
    %swap3A_712 = arith.constant 800 : index
    %swap3A_713 = tpu.vector_load %arg6[%swap3A_712] {strides = array<i32>} : memref<1024xi32, #tpu.memory_space<vmem>>, vector<16xi32>,
    tpu.vector_store %arg6[%swap3A_712], %add3A_711 {strides = array<i32>} : memref<1024xi32, #tpu.memory_space<vmem>>, vector<16xi32>,
    %get3A_714 = arith.constant 816 : index
    %get3A_715 = tpu.vector_load %arg5[%get3A_714] {strides = array<i32>} : memref<1024xi32, #tpu.memory_space<vmem>>, vector<16xi32>,
    %shift_right_logical3A_716 = arith.constant 15 : i32
    %shift_right_logical3A_717 = vector.broadcast %shift_right_logical3A_716 : i32 to vector<16xi32>
    %shift_right_logical3A_718 = arith.shrui %get3A_715, %shift_right_logical3A_717 : vector<16xi32>
    %mul3A_719 = arith.constant 16384 : i32
    %mul3A_720 = vector.broadcast %mul3A_719 : i32 to vector<16xi32>
    %mul3A_721 = arith.muli %shift_right_logical3A_718, %mul3A_720 : vector<16xi32>
    %and3A_722 = arith.constant 16383 : i32
    %and3A_723 = vector.broadcast %and3A_722 : i32 to vector<16xi32>
    %and3A_724 = arith.andi %get3A_715, %and3A_723 : vector<16xi32>
    %add3A_725 = arith.addi %mul3A_721, %and3A_724 : vector<16xi32>
    %swap3A_726 = arith.constant 816 : index
    %swap3A_727 = tpu.vector_load %arg6[%swap3A_726] {strides = array<i32>} : memref<1024xi32, #tpu.memory_space<vmem>>, vector<16xi32>,
    tpu.vector_store %arg6[%swap3A_726], %add3A_725 {strides = array<i32>} : memref<1024xi32, #tpu.memory_space<vmem>>, vector<16xi32>,
    %get3A_728 = arith.constant 832 : index
    %get3A_729 = tpu.vector_load %arg5[%get3A_728] {strides = array<i32>} : memref<1024xi32, #tpu.memory_space<vmem>>, vector<16xi32>,
    %shift_right_logical3A_730 = arith.constant 15 : i32
    %shift_right_logical3A_731 = vector.broadcast %shift_right_logical3A_730 : i32 to vector<16xi32>
    %shift_right_logical3A_732 = arith.shrui %get3A_729, %shift_right_logical3A_731 : vector<16xi32>
    %mul3A_733 = arith.constant 16384 : i32
    %mul3A_734 = vector.broadcast %mul3A_733 : i32 to vector<16xi32>
    %mul3A_735 = arith.muli %shift_right_logical3A_732, %mul3A_734 : vector<16xi32>
    %and3A_736 = arith.constant 16383 : i32
    %and3A_737 = vector.broadcast %and3A_736 : i32 to vector<16xi32>
    %and3A_738 = arith.andi %get3A_729, %and3A_737 : vector<16xi32>
    %add3A_739 = arith.addi %mul3A_735, %and3A_738 : vector<16xi32>
    %swap3A_740 = arith.constant 832 : index
    %swap3A_741 = tpu.vector_load %arg6[%swap3A_740] {strides = array<i32>} : memref<1024xi32, #tpu.memory_space<vmem>>, vector<16xi32>,
    tpu.vector_store %arg6[%swap3A_740], %add3A_739 {strides = array<i32>} : memref<1024xi32, #tpu.memory_space<vmem>>, vector<16xi32>,
    %get3A_742 = arith.constant 848 : index
    %get3A_743 = tpu.vector_load %arg5[%get3A_742] {strides = array<i32>} : memref<1024xi32, #tpu.memory_space<vmem>>, vector<16xi32>,
    %shift_right_logical3A_744 = arith.constant 15 : i32
    %shift_right_logical3A_745 = vector.broadcast %shift_right_logical3A_744 : i32 to vector<16xi32>
    %shift_right_logical3A_746 = arith.shrui %get3A_743, %shift_right_logical3A_745 : vector<16xi32>
    %mul3A_747 = arith.constant 16384 : i32
    %mul3A_748 = vector.broadcast %mul3A_747 : i32 to vector<16xi32>
    %mul3A_749 = arith.muli %shift_right_logical3A_746, %mul3A_748 : vector<16xi32>
    %and3A_750 = arith.constant 16383 : i32
    %and3A_751 = vector.broadcast %and3A_750 : i32 to vector<16xi32>
    %and3A_752 = arith.andi %get3A_743, %and3A_751 : vector<16xi32>
    %add3A_753 = arith.addi %mul3A_749, %and3A_752 : vector<16xi32>
    %swap3A_754 = arith.constant 848 : index
    %swap3A_755 = tpu.vector_load %arg6[%swap3A_754] {strides = array<i32>} : memref<1024xi32, #tpu.memory_space<vmem>>, vector<16xi32>,
    tpu.vector_store %arg6[%swap3A_754], %add3A_753 {strides = array<i32>} : memref<1024xi32, #tpu.memory_space<vmem>>, vector<16xi32>,
    %get3A_756 = arith.constant 864 : index
    %get3A_757 = tpu.vector_load %arg5[%get3A_756] {strides = array<i32>} : memref<1024xi32, #tpu.memory_space<vmem>>, vector<16xi32>,
    %shift_right_logical3A_758 = arith.constant 15 : i32
    %shift_right_logical3A_759 = vector.broadcast %shift_right_logical3A_758 : i32 to vector<16xi32>
    %shift_right_logical3A_760 = arith.shrui %get3A_757, %shift_right_logical3A_759 : vector<16xi32>
    %mul3A_761 = arith.constant 16384 : i32
    %mul3A_762 = vector.broadcast %mul3A_761 : i32 to vector<16xi32>
    %mul3A_763 = arith.muli %shift_right_logical3A_760, %mul3A_762 : vector<16xi32>
    %and3A_764 = arith.constant 16383 : i32
    %and3A_765 = vector.broadcast %and3A_764 : i32 to vector<16xi32>
    %and3A_766 = arith.andi %get3A_757, %and3A_765 : vector<16xi32>
    %add3A_767 = arith.addi %mul3A_763, %and3A_766 : vector<16xi32>
    %swap3A_768 = arith.constant 864 : index
    %swap3A_769 = tpu.vector_load %arg6[%swap3A_768] {strides = array<i32>} : memref<1024xi32, #tpu.memory_space<vmem>>, vector<16xi32>,
    tpu.vector_store %arg6[%swap3A_768], %add3A_767 {strides = array<i32>} : memref<1024xi32, #tpu.memory_space<vmem>>, vector<16xi32>,
    %get3A_770 = arith.constant 880 : index
    %get3A_771 = tpu.vector_load %arg5[%get3A_770] {strides = array<i32>} : memref<1024xi32, #tpu.memory_space<vmem>>, vector<16xi32>,
    %shift_right_logical3A_772 = arith.constant 15 : i32
    %shift_right_logical3A_773 = vector.broadcast %shift_right_logical3A_772 : i32 to vector<16xi32>
    %shift_right_logical3A_774 = arith.shrui %get3A_771, %shift_right_logical3A_773 : vector<16xi32>
    %mul3A_775 = arith.constant 16384 : i32
    %mul3A_776 = vector.broadcast %mul3A_775 : i32 to vector<16xi32>
    %mul3A_777 = arith.muli %shift_right_logical3A_774, %mul3A_776 : vector<16xi32>
    %and3A_778 = arith.constant 16383 : i32
    %and3A_779 = vector.broadcast %and3A_778 : i32 to vector<16xi32>
    %and3A_780 = arith.andi %get3A_771, %and3A_779 : vector<16xi32>
    %add3A_781 = arith.addi %mul3A_777, %and3A_780 : vector<16xi32>
    %swap3A_782 = arith.constant 880 : index
    %swap3A_783 = tpu.vector_load %arg6[%swap3A_782] {strides = array<i32>} : memref<1024xi32, #tpu.memory_space<vmem>>, vector<16xi32>,
    tpu.vector_store %arg6[%swap3A_782], %add3A_781 {strides = array<i32>} : memref<1024xi32, #tpu.memory_space<vmem>>, vector<16xi32>,
    %get3A_784 = arith.constant 896 : index
    %get3A_785 = tpu.vector_load %arg5[%get3A_784] {strides = array<i32>} : memref<1024xi32, #tpu.memory_space<vmem>>, vector<16xi32>,
    %shift_right_logical3A_786 = arith.constant 15 : i32
    %shift_right_logical3A_787 = vector.broadcast %shift_right_logical3A_786 : i32 to vector<16xi32>
    %shift_right_logical3A_788 = arith.shrui %get3A_785, %shift_right_logical3A_787 : vector<16xi32>
    %mul3A_789 = arith.constant 16384 : i32
    %mul3A_790 = vector.broadcast %mul3A_789 : i32 to vector<16xi32>
    %mul3A_791 = arith.muli %shift_right_logical3A_788, %mul3A_790 : vector<16xi32>
    %and3A_792 = arith.constant 16383 : i32
    %and3A_793 = vector.broadcast %and3A_792 : i32 to vector<16xi32>
    %and3A_794 = arith.andi %get3A_785, %and3A_793 : vector<16xi32>
    %add3A_795 = arith.addi %mul3A_791, %and3A_794 : vector<16xi32>
    %swap3A_796 = arith.constant 896 : index
    %swap3A_797 = tpu.vector_load %arg6[%swap3A_796] {strides = array<i32>} : memref<1024xi32, #tpu.memory_space<vmem>>, vector<16xi32>,
    tpu.vector_store %arg6[%swap3A_796], %add3A_795 {strides = array<i32>} : memref<1024xi32, #tpu.memory_space<vmem>>, vector<16xi32>,
    %get3A_798 = arith.constant 912 : index
    %get3A_799 = tpu.vector_load %arg5[%get3A_798] {strides = array<i32>} : memref<1024xi32, #tpu.memory_space<vmem>>, vector<16xi32>,
    %shift_right_logical3A_800 = arith.constant 15 : i32
    %shift_right_logical3A_801 = vector.broadcast %shift_right_logical3A_800 : i32 to vector<16xi32>
    %shift_right_logical3A_802 = arith.shrui %get3A_799, %shift_right_logical3A_801 : vector<16xi32>
    %mul3A_803 = arith.constant 16384 : i32
    %mul3A_804 = vector.broadcast %mul3A_803 : i32 to vector<16xi32>
    %mul3A_805 = arith.muli %shift_right_logical3A_802, %mul3A_804 : vector<16xi32>
    %and3A_806 = arith.constant 16383 : i32
    %and3A_807 = vector.broadcast %and3A_806 : i32 to vector<16xi32>
    %and3A_808 = arith.andi %get3A_799, %and3A_807 : vector<16xi32>
    %add3A_809 = arith.addi %mul3A_805, %and3A_808 : vector<16xi32>
    %swap3A_810 = arith.constant 912 : index
    %swap3A_811 = tpu.vector_load %arg6[%swap3A_810] {strides = array<i32>} : memref<1024xi32, #tpu.memory_space<vmem>>, vector<16xi32>,
    tpu.vector_store %arg6[%swap3A_810], %add3A_809 {strides = array<i32>} : memref<1024xi32, #tpu.memory_space<vmem>>, vector<16xi32>,
    %get3A_812 = arith.constant 928 : index
    %get3A_813 = tpu.vector_load %arg5[%get3A_812] {strides = array<i32>} : memref<1024xi32, #tpu.memory_space<vmem>>, vector<16xi32>,
    %shift_right_logical3A_814 = arith.constant 15 : i32
    %shift_right_logical3A_815 = vector.broadcast %shift_right_logical3A_814 : i32 to vector<16xi32>
    %shift_right_logical3A_816 = arith.shrui %get3A_813, %shift_right_logical3A_815 : vector<16xi32>
    %mul3A_817 = arith.constant 16384 : i32
    %mul3A_818 = vector.broadcast %mul3A_817 : i32 to vector<16xi32>
    %mul3A_819 = arith.muli %shift_right_logical3A_816, %mul3A_818 : vector<16xi32>
    %and3A_820 = arith.constant 16383 : i32
    %and3A_821 = vector.broadcast %and3A_820 : i32 to vector<16xi32>
    %and3A_822 = arith.andi %get3A_813, %and3A_821 : vector<16xi32>
    %add3A_823 = arith.addi %mul3A_819, %and3A_822 : vector<16xi32>
    %swap3A_824 = arith.constant 928 : index
    %swap3A_825 = tpu.vector_load %arg6[%swap3A_824] {strides = array<i32>} : memref<1024xi32, #tpu.memory_space<vmem>>, vector<16xi32>,
    tpu.vector_store %arg6[%swap3A_824], %add3A_823 {strides = array<i32>} : memref<1024xi32, #tpu.memory_space<vmem>>, vector<16xi32>,
    %get3A_826 = arith.constant 944 : index
    %get3A_827 = tpu.vector_load %arg5[%get3A_826] {strides = array<i32>} : memref<1024xi32, #tpu.memory_space<vmem>>, vector<16xi32>,
    %shift_right_logical3A_828 = arith.constant 15 : i32
    %shift_right_logical3A_829 = vector.broadcast %shift_right_logical3A_828 : i32 to vector<16xi32>
    %shift_right_logical3A_830 = arith.shrui %get3A_827, %shift_right_logical3A_829 : vector<16xi32>
    %mul3A_831 = arith.constant 16384 : i32
    %mul3A_832 = vector.broadcast %mul3A_831 : i32 to vector<16xi32>
    %mul3A_833 = arith.muli %shift_right_logical3A_830, %mul3A_832 : vector<16xi32>
    %and3A_834 = arith.constant 16383 : i32
    %and3A_835 = vector.broadcast %and3A_834 : i32 to vector<16xi32>
    %and3A_836 = arith.andi %get3A_827, %and3A_835 : vector<16xi32>
    %add3A_837 = arith.addi %mul3A_833, %and3A_836 : vector<16xi32>
    %swap3A_838 = arith.constant 944 : index
    %swap3A_839 = tpu.vector_load %arg6[%swap3A_838] {strides = array<i32>} : memref<1024xi32, #tpu.memory_space<vmem>>, vector<16xi32>,
    tpu.vector_store %arg6[%swap3A_838], %add3A_837 {strides = array<i32>} : memref<1024xi32, #tpu.memory_space<vmem>>, vector<16xi32>,
    %get3A_840 = arith.constant 960 : index
    %get3A_841 = tpu.vector_load %arg5[%get3A_840] {strides = array<i32>} : memref<1024xi32, #tpu.memory_space<vmem>>, vector<16xi32>,
    %shift_right_logical3A_842 = arith.constant 15 : i32
    %shift_right_logical3A_843 = vector.broadcast %shift_right_logical3A_842 : i32 to vector<16xi32>
    %shift_right_logical3A_844 = arith.shrui %get3A_841, %shift_right_logical3A_843 : vector<16xi32>
    %mul3A_845 = arith.constant 16384 : i32
    %mul3A_846 = vector.broadcast %mul3A_845 : i32 to vector<16xi32>
    %mul3A_847 = arith.muli %shift_right_logical3A_844, %mul3A_846 : vector<16xi32>
    %and3A_848 = arith.constant 16383 : i32
    %and3A_849 = vector.broadcast %and3A_848 : i32 to vector<16xi32>
    %and3A_850 = arith.andi %get3A_841, %and3A_849 : vector<16xi32>
    %add3A_851 = arith.addi %mul3A_847, %and3A_850 : vector<16xi32>
    %swap3A_852 = arith.constant 960 : index
    %swap3A_853 = tpu.vector_load %arg6[%swap3A_852] {strides = array<i32>} : memref<1024xi32, #tpu.memory_space<vmem>>, vector<16xi32>,
    tpu.vector_store %arg6[%swap3A_852], %add3A_851 {strides = array<i32>} : memref<1024xi32, #tpu.memory_space<vmem>>, vector<16xi32>,
    %get3A_854 = arith.constant 976 : index
    %get3A_855 = tpu.vector_load %arg5[%get3A_854] {strides = array<i32>} : memref<1024xi32, #tpu.memory_space<vmem>>, vector<16xi32>,
    %shift_right_logical3A_856 = arith.constant 15 : i32
    %shift_right_logical3A_857 = vector.broadcast %shift_right_logical3A_856 : i32 to vector<16xi32>
    %shift_right_logical3A_858 = arith.shrui %get3A_855, %shift_right_logical3A_857 : vector<16xi32>
    %mul3A_859 = arith.constant 16384 : i32
    %mul3A_860 = vector.broadcast %mul3A_859 : i32 to vector<16xi32>
    %mul3A_861 = arith.muli %shift_right_logical3A_858, %mul3A_860 : vector<16xi32>
    %and3A_862 = arith.constant 16383 : i32
    %and3A_863 = vector.broadcast %and3A_862 : i32 to vector<16xi32>
    %and3A_864 = arith.andi %get3A_855, %and3A_863 : vector<16xi32>
    %add3A_865 = arith.addi %mul3A_861, %and3A_864 : vector<16xi32>
    %swap3A_866 = arith.constant 976 : index
    %swap3A_867 = tpu.vector_load %arg6[%swap3A_866] {strides = array<i32>} : memref<1024xi32, #tpu.memory_space<vmem>>, vector<16xi32>,
    tpu.vector_store %arg6[%swap3A_866], %add3A_865 {strides = array<i32>} : memref<1024xi32, #tpu.memory_space<vmem>>, vector<16xi32>,
    %get3A_868 = arith.constant 992 : index
    %get3A_869 = tpu.vector_load %arg5[%get3A_868] {strides = array<i32>} : memref<1024xi32, #tpu.memory_space<vmem>>, vector<16xi32>,
    %shift_right_logical3A_870 = arith.constant 15 : i32
    %shift_right_logical3A_871 = vector.broadcast %shift_right_logical3A_870 : i32 to vector<16xi32>
    %shift_right_logical3A_872 = arith.shrui %get3A_869, %shift_right_logical3A_871 : vector<16xi32>
    %mul3A_873 = arith.constant 16384 : i32
    %mul3A_874 = vector.broadcast %mul3A_873 : i32 to vector<16xi32>
    %mul3A_875 = arith.muli %shift_right_logical3A_872, %mul3A_874 : vector<16xi32>
    %and3A_876 = arith.constant 16383 : i32
    %and3A_877 = vector.broadcast %and3A_876 : i32 to vector<16xi32>
    %and3A_878 = arith.andi %get3A_869, %and3A_877 : vector<16xi32>
    %add3A_879 = arith.addi %mul3A_875, %and3A_878 : vector<16xi32>
    %swap3A_880 = arith.constant 992 : index
    %swap3A_881 = tpu.vector_load %arg6[%swap3A_880] {strides = array<i32>} : memref<1024xi32, #tpu.memory_space<vmem>>, vector<16xi32>,
    tpu.vector_store %arg6[%swap3A_880], %add3A_879 {strides = array<i32>} : memref<1024xi32, #tpu.memory_space<vmem>>, vector<16xi32>,
    %get3A_882 = arith.constant 1008 : index
    %get3A_883 = tpu.vector_load %arg5[%get3A_882] {strides = array<i32>} : memref<1024xi32, #tpu.memory_space<vmem>>, vector<16xi32>,
    %shift_right_logical3A_884 = arith.constant 15 : i32
    %shift_right_logical3A_885 = vector.broadcast %shift_right_logical3A_884 : i32 to vector<16xi32>
    %shift_right_logical3A_886 = arith.shrui %get3A_883, %shift_right_logical3A_885 : vector<16xi32>
    %mul3A_887 = arith.constant 16384 : i32
    %mul3A_888 = vector.broadcast %mul3A_887 : i32 to vector<16xi32>
    %mul3A_889 = arith.muli %shift_right_logical3A_886, %mul3A_888 : vector<16xi32>
    %and3A_890 = arith.constant 16383 : i32
    %and3A_891 = vector.broadcast %and3A_890 : i32 to vector<16xi32>
    %and3A_892 = arith.andi %get3A_883, %and3A_891 : vector<16xi32>
    %add3A_893 = arith.addi %mul3A_889, %and3A_892 : vector<16xi32>
    %swap3A_894 = arith.constant 1008 : index
    %swap3A_895 = tpu.vector_load %arg6[%swap3A_894] {strides = array<i32>} : memref<1024xi32, #tpu.memory_space<vmem>>, vector<16xi32>,
    tpu.vector_store %arg6[%swap3A_894], %add3A_893 {strides = array<i32>} : memref<1024xi32, #tpu.memory_space<vmem>>, vector<16xi32>,
    %multiple_of3A = arith.constant 0 : i32
    %multiple_of3A_896 = tpu.assume_multiple %multiple_of3A, 8 : i32
    %dma_start3A = tpu.memref_slice %arg6[%multiple_of3A_896] : memref<1024xi32, #tpu.memory_space<vmem>> -> memref<128xi32, #tpu.memory_space<vmem>>
    %dma_start3A_897 = arith.constant 0 : i32
    %dma_start3A_898 = arith.constant 0 : i32
    %dma_start3A_899 = tpu.memref_slice %arg3[%dma_start3A_897, %dma_start3A_898] : memref<507904x128xf32, #tpu.memory_space<hbm>> -> memref<507904x128xf32, #tpu.memory_space<hbm>>
    tpu.enqueue_indirect_dma source(%dma_start3A_899 : memref<507904x128xf32, #tpu.memory_space<hbm>>) target(%arg7 : memref<128x128xf32, #tpu.memory_space<vmem>>) offsets(%dma_start3A : memref<128xi32, #tpu.memory_space<vmem>>) semaphore(%arg10 : memref<!tpu.dma_semaphore, #tpu.memory_space<semaphore_mem>>)
    %iota3A = tpu.iota {dimensions = array<i32: 0>} : vector<16xi32>
    %scan3A = arith.constant 0 : i32
    %scan3A_900 = arith.constant 4 : i32
    %scan3A_901 = arith.addi %scan3A, %scan3A_900 : i32
    %scan3A_902 = arith.constant 1 : i32
    scf.for %scan3A_906 = %scan3A to %scan3A_901 step %scan3A_902  : i32 {
      %mul3A_907 = arith.constant 2 : i32
      %mul3A_908 = arith.muli %scan3A_906, %mul3A_907 : i32
      %add3A_909 = arith.constant 0 : i32
      %add3A_910 = arith.addi %add3A_909, %mul3A_908 : i32
      %add3A_911 = arith.constant 0 : i32
      %add3A_912 = arith.addi %add3A_910, %add3A_911 : i32
      %add3A_913 = arith.constant 1 : i32
      %add3A_914 = arith.addi %add3A_912, %add3A_913 : i32
      %lt3A = arith.constant 8 : i32
      %lt3A_915 = arith.cmpi slt, %add3A_914, %lt3A : i32
      %convert_element_type3A = arith.extui %lt3A_915 : i1 to i32
      %cond3A = arith.constant 0 : i32
      %cond3A_916 = arith.cmpi ne, %convert_element_type3A, %cond3A : i32
      scf.if %cond3A_916 {
        %add3A_965 = arith.constant 1 : i32
        %add3A_966 = arith.addi %add3A_912, %add3A_965 : i32
        %mul3A_967 = arith.constant 128 : i32
        %mul3A_968 = arith.muli %add3A_966, %mul3A_967 : i32
        %multiple_of3A_969 = tpu.assume_multiple %mul3A_968, 8 : i32
        %dma_start3A_970 = tpu.memref_slice %arg6[%multiple_of3A_969] : memref<1024xi32, #tpu.memory_space<vmem>> -> memref<128xi32, #tpu.memory_space<vmem>>
        %dma_start3A_971 = arith.constant 0 : i32
        %dma_start3A_972 = arith.constant 0 : i32
        %dma_start3A_973 = tpu.memref_slice %arg3[%dma_start3A_971, %dma_start3A_972] : memref<507904x128xf32, #tpu.memory_space<hbm>> -> memref<507904x128xf32, #tpu.memory_space<hbm>>
        tpu.enqueue_indirect_dma source(%dma_start3A_973 : memref<507904x128xf32, #tpu.memory_space<hbm>>) target(%arg8 : memref<128x128xf32, #tpu.memory_space<vmem>>) offsets(%dma_start3A_970 : memref<128xi32, #tpu.memory_space<vmem>>) semaphore(%arg11 : memref<!tpu.dma_semaphore, #tpu.memory_space<semaphore_mem>>)
      } else {
      }
      %mul3A_917 = arith.constant 128 : i32
      %mul3A_918 = arith.muli %add3A_912, %mul3A_917 : i32
      %multiple_of3A_919 = tpu.assume_multiple %mul3A_918, 8 : i32
      %dma_wait3A = tpu.memref_slice %arg6[%multiple_of3A_919] : memref<1024xi32, #tpu.memory_space<vmem>> -> memref<128xi32, #tpu.memory_space<vmem>>
      %dma_wait3A_920 = arith.constant 0 : i32
      %dma_wait3A_921 = arith.constant 0 : i32
      %dma_wait3A_922 = tpu.memref_slice %arg3[%dma_wait3A_920, %dma_wait3A_921] : memref<507904x128xf32, #tpu.memory_space<hbm>> -> memref<507904x128xf32, #tpu.memory_space<hbm>>
      tpu.wait_indirect_dma semaphore(%arg10 : memref<!tpu.dma_semaphore, #tpu.memory_space<semaphore_mem>>) src(%dma_wait3A_922 : memref<507904x128xf32, #tpu.memory_space<hbm>>) dst(%arg7 : memref<128x128xf32, #tpu.memory_space<vmem>>)
      %and3A_923 = arith.constant 3 : i32
      %and3A_924 = arith.andi %add3A_912, %and3A_923 : i32
      %mul3A_925 = arith.constant 128 : i32
      %mul3A_926 = arith.muli %and3A_924, %mul3A_925 : i32
      %shift_right_logical3A_927 = arith.constant 2 : i32
      %shift_right_logical3A_928 = arith.shrui %add3A_912, %shift_right_logical3A_927 : i32
      %mul3A_929 = arith.constant 64 : i32
      %mul3A_930 = arith.muli %shift_right_logical3A_928, %mul3A_929 : i32
      %scan3A_931 = arith.constant 0 : i32
      %scan3A_932 = arith.constant 128 : i32
      %scan3A_933 = arith.addi %scan3A_931, %scan3A_932 : i32
      %scan3A_934 = arith.constant 1 : i32
      scf.for %scan3A_965 = %scan3A_931 to %scan3A_933 step %scan3A_934  : i32 {
        %mul3A_966 = arith.constant 1 : i32
        %mul3A_967 = arith.muli %scan3A_965, %mul3A_966 : i32
        %add3A_968 = arith.constant 0 : i32
        %add3A_969 = arith.addi %add3A_968, %mul3A_967 : i32
        %mul3A_970 = arith.constant 128 : i32
        %mul3A_971 = arith.muli %add3A_912, %mul3A_970 : i32
        %add3A_972 = arith.addi %mul3A_971, %add3A_969 : i32
        %broadcast_in_dim3A = vector.broadcast %add3A_972 : i32 to vector<16xi32>
        %gather3A = tpu.vector_load_idx %arg5[%broadcast_in_dim3A] : memref<1024xi32, #tpu.memory_space<vmem>>[vector<16xi32>], vector<16xi32>,
        %shift_right_logical3A_973 = arith.constant 14 : i32
        %shift_right_logical3A_974 = vector.broadcast %shift_right_logical3A_973 : i32 to vector<16xi32>
        %shift_right_logical3A_975 = arith.shrui %gather3A, %shift_right_logical3A_974 : vector<16xi32>
        %and3A_976 = arith.constant 1 : i32
        %and3A_977 = vector.broadcast %and3A_976 : i32 to vector<16xi32>
        %and3A_978 = arith.andi %shift_right_logical3A_975, %and3A_977 : vector<16xi32>
        %mul3A_979 = arith.constant 64 : i32
        %mul3A_980 = vector.broadcast %mul3A_979 : i32 to vector<16xi32>
        %mul3A_981 = arith.muli %and3A_978, %mul3A_980 : vector<16xi32>
        %broadcast_in_dim3A_982 = vector.broadcast %add3A_969 : i32 to vector<16xi32>
        %add3A_983 = arith.addi %mul3A_926, %add3A_969 : i32
        %add3A_984 = arith.addi %mul3A_981, %iota3A : vector<16xi32>
        %add3A_985 = arith.constant 0 : i32
        %add3A_986 = vector.broadcast %add3A_985 : i32 to vector<16xi32>
        %add3A_987 = arith.addi %add3A_984, %add3A_986 : vector<16xi32>
        %gather3A_988 = tpu.vector_load_idx %arg7[%broadcast_in_dim3A_982, %add3A_987] : memref<128x128xf32, #tpu.memory_space<vmem>>[vector<16xi32>, vector<16xi32>], vector<16xf32>,
        %add3A_989 = arith.constant 0 : i32
        %add3A_990 = arith.addi %mul3A_930, %add3A_989 : i32
        %swap3A_991 = arith.index_cast %add3A_983 : i32 to index
        %swap3A_992 = arith.index_cast %add3A_990 : i32 to index
        %swap3A_993 = tpu.vector_load %arg9[%swap3A_991, %swap3A_992] {strides = array<i32>} : memref<512x128xf32, #tpu.memory_space<vmem>>, vector<16xf32>,
        tpu.vector_store %arg9[%swap3A_991, %swap3A_992], %gather3A_988 {strides = array<i32>} : memref<512x128xf32, #tpu.memory_space<vmem>>, vector<16xf32>,
        %add3A_994 = arith.addi %mul3A_981, %iota3A : vector<16xi32>
        %add3A_995 = arith.constant 16 : i32
        %add3A_996 = vector.broadcast %add3A_995 : i32 to vector<16xi32>
        %add3A_997 = arith.addi %add3A_994, %add3A_996 : vector<16xi32>
        %gather3A_998 = tpu.vector_load_idx %arg7[%broadcast_in_dim3A_982, %add3A_997] : memref<128x128xf32, #tpu.memory_space<vmem>>[vector<16xi32>, vector<16xi32>], vector<16xf32>,
        %add3A_999 = arith.constant 16 : i32
        %add3A_1000 = arith.addi %mul3A_930, %add3A_999 : i32
        %swap3A_1001 = arith.index_cast %add3A_983 : i32 to index
        %swap3A_1002 = arith.index_cast %add3A_1000 : i32 to index
        %swap3A_1003 = tpu.vector_load %arg9[%swap3A_1001, %swap3A_1002] {strides = array<i32>} : memref<512x128xf32, #tpu.memory_space<vmem>>, vector<16xf32>,
        tpu.vector_store %arg9[%swap3A_1001, %swap3A_1002], %gather3A_998 {strides = array<i32>} : memref<512x128xf32, #tpu.memory_space<vmem>>, vector<16xf32>,
        %add3A_1004 = arith.addi %mul3A_981, %iota3A : vector<16xi32>
        %add3A_1005 = arith.constant 32 : i32
        %add3A_1006 = vector.broadcast %add3A_1005 : i32 to vector<16xi32>
        %add3A_1007 = arith.addi %add3A_1004, %add3A_1006 : vector<16xi32>
        %gather3A_1008 = tpu.vector_load_idx %arg7[%broadcast_in_dim3A_982, %add3A_1007] : memref<128x128xf32, #tpu.memory_space<vmem>>[vector<16xi32>, vector<16xi32>], vector<16xf32>,
        %add3A_1009 = arith.constant 32 : i32
        %add3A_1010 = arith.addi %mul3A_930, %add3A_1009 : i32
        %swap3A_1011 = arith.index_cast %add3A_983 : i32 to index
        %swap3A_1012 = arith.index_cast %add3A_1010 : i32 to index
        %swap3A_1013 = tpu.vector_load %arg9[%swap3A_1011, %swap3A_1012] {strides = array<i32>} : memref<512x128xf32, #tpu.memory_space<vmem>>, vector<16xf32>,
        tpu.vector_store %arg9[%swap3A_1011, %swap3A_1012], %gather3A_1008 {strides = array<i32>} : memref<512x128xf32, #tpu.memory_space<vmem>>, vector<16xf32>,
        %add3A_1014 = arith.addi %mul3A_981, %iota3A : vector<16xi32>
        %add3A_1015 = arith.constant 48 : i32
        %add3A_1016 = vector.broadcast %add3A_1015 : i32 to vector<16xi32>
        %add3A_1017 = arith.addi %add3A_1014, %add3A_1016 : vector<16xi32>
        %gather3A_1018 = tpu.vector_load_idx %arg7[%broadcast_in_dim3A_982, %add3A_1017] : memref<128x128xf32, #tpu.memory_space<vmem>>[vector<16xi32>, vector<16xi32>], vector<16xf32>,
        %add3A_1019 = arith.constant 48 : i32
        %add3A_1020 = arith.addi %mul3A_930, %add3A_1019 : i32
        %swap3A_1021 = arith.index_cast %add3A_983 : i32 to index
        %swap3A_1022 = arith.index_cast %add3A_1020 : i32 to index
        %swap3A_1023 = tpu.vector_load %arg9[%swap3A_1021, %swap3A_1022] {strides = array<i32>} : memref<512x128xf32, #tpu.memory_space<vmem>>, vector<16xf32>,
        tpu.vector_store %arg9[%swap3A_1021, %swap3A_1022], %gather3A_1018 {strides = array<i32>} : memref<512x128xf32, #tpu.memory_space<vmem>>, vector<16xf32>,
      }
      %scan3A_935 = arith.constant 128 : i32
      %add3A_936 = arith.constant 1 : i32
      %add3A_937 = arith.addi %add3A_910, %add3A_936 : i32
      %add3A_938 = arith.constant 1 : i32
      %add3A_939 = arith.addi %add3A_937, %add3A_938 : i32
      %lt3A_940 = arith.constant 8 : i32
      %lt3A_941 = arith.cmpi slt, %add3A_939, %lt3A_940 : i32
      %convert_element_type3A_942 = arith.extui %lt3A_941 : i1 to i32
      %cond3A_943 = arith.constant 0 : i32
      %cond3A_944 = arith.cmpi ne, %convert_element_type3A_942, %cond3A_943 : i32
      scf.if %cond3A_944 {
        %add3A_965 = arith.constant 1 : i32
        %add3A_966 = arith.addi %add3A_937, %add3A_965 : i32
        %mul3A_967 = arith.constant 128 : i32
        %mul3A_968 = arith.muli %add3A_966, %mul3A_967 : i32
        %multiple_of3A_969 = tpu.assume_multiple %mul3A_968, 8 : i32
        %dma_start3A_970 = tpu.memref_slice %arg6[%multiple_of3A_969] : memref<1024xi32, #tpu.memory_space<vmem>> -> memref<128xi32, #tpu.memory_space<vmem>>
        %dma_start3A_971 = arith.constant 0 : i32
        %dma_start3A_972 = arith.constant 0 : i32
        %dma_start3A_973 = tpu.memref_slice %arg3[%dma_start3A_971, %dma_start3A_972] : memref<507904x128xf32, #tpu.memory_space<hbm>> -> memref<507904x128xf32, #tpu.memory_space<hbm>>
        tpu.enqueue_indirect_dma source(%dma_start3A_973 : memref<507904x128xf32, #tpu.memory_space<hbm>>) target(%arg7 : memref<128x128xf32, #tpu.memory_space<vmem>>) offsets(%dma_start3A_970 : memref<128xi32, #tpu.memory_space<vmem>>) semaphore(%arg10 : memref<!tpu.dma_semaphore, #tpu.memory_space<semaphore_mem>>)
      } else {
      }
      %mul3A_945 = arith.constant 128 : i32
      %mul3A_946 = arith.muli %add3A_937, %mul3A_945 : i32
      %multiple_of3A_947 = tpu.assume_multiple %mul3A_946, 8 : i32
      %dma_wait3A_948 = tpu.memref_slice %arg6[%multiple_of3A_947] : memref<1024xi32, #tpu.memory_space<vmem>> -> memref<128xi32, #tpu.memory_space<vmem>>
      %dma_wait3A_949 = arith.constant 0 : i32
      %dma_wait3A_950 = arith.constant 0 : i32
      %dma_wait3A_951 = tpu.memref_slice %arg3[%dma_wait3A_949, %dma_wait3A_950] : memref<507904x128xf32, #tpu.memory_space<hbm>> -> memref<507904x128xf32, #tpu.memory_space<hbm>>
      tpu.wait_indirect_dma semaphore(%arg11 : memref<!tpu.dma_semaphore, #tpu.memory_space<semaphore_mem>>) src(%dma_wait3A_951 : memref<507904x128xf32, #tpu.memory_space<hbm>>) dst(%arg8 : memref<128x128xf32, #tpu.memory_space<vmem>>)
      %and3A_952 = arith.constant 3 : i32
      %and3A_953 = arith.andi %add3A_937, %and3A_952 : i32
      %mul3A_954 = arith.constant 128 : i32
      %mul3A_955 = arith.muli %and3A_953, %mul3A_954 : i32
      %shift_right_logical3A_956 = arith.constant 2 : i32
      %shift_right_logical3A_957 = arith.shrui %add3A_937, %shift_right_logical3A_956 : i32
      %mul3A_958 = arith.constant 64 : i32
      %mul3A_959 = arith.muli %shift_right_logical3A_957, %mul3A_958 : i32
      %scan3A_960 = arith.constant 0 : i32
      %scan3A_961 = arith.constant 128 : i32
      %scan3A_962 = arith.addi %scan3A_960, %scan3A_961 : i32
      %scan3A_963 = arith.constant 1 : i32
      scf.for %scan3A_965 = %scan3A_960 to %scan3A_962 step %scan3A_963  : i32 {
        %mul3A_966 = arith.constant 1 : i32
        %mul3A_967 = arith.muli %scan3A_965, %mul3A_966 : i32
        %add3A_968 = arith.constant 0 : i32
        %add3A_969 = arith.addi %add3A_968, %mul3A_967 : i32
        %mul3A_970 = arith.constant 128 : i32
        %mul3A_971 = arith.muli %add3A_937, %mul3A_970 : i32
        %add3A_972 = arith.addi %mul3A_971, %add3A_969 : i32
        %broadcast_in_dim3A = vector.broadcast %add3A_972 : i32 to vector<16xi32>
        %gather3A = tpu.vector_load_idx %arg5[%broadcast_in_dim3A] : memref<1024xi32, #tpu.memory_space<vmem>>[vector<16xi32>], vector<16xi32>,
        %shift_right_logical3A_973 = arith.constant 14 : i32
        %shift_right_logical3A_974 = vector.broadcast %shift_right_logical3A_973 : i32 to vector<16xi32>
        %shift_right_logical3A_975 = arith.shrui %gather3A, %shift_right_logical3A_974 : vector<16xi32>
        %and3A_976 = arith.constant 1 : i32
        %and3A_977 = vector.broadcast %and3A_976 : i32 to vector<16xi32>
        %and3A_978 = arith.andi %shift_right_logical3A_975, %and3A_977 : vector<16xi32>
        %mul3A_979 = arith.constant 64 : i32
        %mul3A_980 = vector.broadcast %mul3A_979 : i32 to vector<16xi32>
        %mul3A_981 = arith.muli %and3A_978, %mul3A_980 : vector<16xi32>
        %broadcast_in_dim3A_982 = vector.broadcast %add3A_969 : i32 to vector<16xi32>
        %add3A_983 = arith.addi %mul3A_955, %add3A_969 : i32
        %add3A_984 = arith.addi %mul3A_981, %iota3A : vector<16xi32>
        %add3A_985 = arith.constant 0 : i32
        %add3A_986 = vector.broadcast %add3A_985 : i32 to vector<16xi32>
        %add3A_987 = arith.addi %add3A_984, %add3A_986 : vector<16xi32>
        %gather3A_988 = tpu.vector_load_idx %arg8[%broadcast_in_dim3A_982, %add3A_987] : memref<128x128xf32, #tpu.memory_space<vmem>>[vector<16xi32>, vector<16xi32>], vector<16xf32>,
        %add3A_989 = arith.constant 0 : i32
        %add3A_990 = arith.addi %mul3A_959, %add3A_989 : i32
        %swap3A_991 = arith.index_cast %add3A_983 : i32 to index
        %swap3A_992 = arith.index_cast %add3A_990 : i32 to index
        %swap3A_993 = tpu.vector_load %arg9[%swap3A_991, %swap3A_992] {strides = array<i32>} : memref<512x128xf32, #tpu.memory_space<vmem>>, vector<16xf32>,
        tpu.vector_store %arg9[%swap3A_991, %swap3A_992], %gather3A_988 {strides = array<i32>} : memref<512x128xf32, #tpu.memory_space<vmem>>, vector<16xf32>,
        %add3A_994 = arith.addi %mul3A_981, %iota3A : vector<16xi32>
        %add3A_995 = arith.constant 16 : i32
        %add3A_996 = vector.broadcast %add3A_995 : i32 to vector<16xi32>
        %add3A_997 = arith.addi %add3A_994, %add3A_996 : vector<16xi32>
        %gather3A_998 = tpu.vector_load_idx %arg8[%broadcast_in_dim3A_982, %add3A_997] : memref<128x128xf32, #tpu.memory_space<vmem>>[vector<16xi32>, vector<16xi32>], vector<16xf32>,
        %add3A_999 = arith.constant 16 : i32
        %add3A_1000 = arith.addi %mul3A_959, %add3A_999 : i32
        %swap3A_1001 = arith.index_cast %add3A_983 : i32 to index
        %swap3A_1002 = arith.index_cast %add3A_1000 : i32 to index
        %swap3A_1003 = tpu.vector_load %arg9[%swap3A_1001, %swap3A_1002] {strides = array<i32>} : memref<512x128xf32, #tpu.memory_space<vmem>>, vector<16xf32>,
        tpu.vector_store %arg9[%swap3A_1001, %swap3A_1002], %gather3A_998 {strides = array<i32>} : memref<512x128xf32, #tpu.memory_space<vmem>>, vector<16xf32>,
        %add3A_1004 = arith.addi %mul3A_981, %iota3A : vector<16xi32>
        %add3A_1005 = arith.constant 32 : i32
        %add3A_1006 = vector.broadcast %add3A_1005 : i32 to vector<16xi32>
        %add3A_1007 = arith.addi %add3A_1004, %add3A_1006 : vector<16xi32>
        %gather3A_1008 = tpu.vector_load_idx %arg8[%broadcast_in_dim3A_982, %add3A_1007] : memref<128x128xf32, #tpu.memory_space<vmem>>[vector<16xi32>, vector<16xi32>], vector<16xf32>,
        %add3A_1009 = arith.constant 32 : i32
        %add3A_1010 = arith.addi %mul3A_959, %add3A_1009 : i32
        %swap3A_1011 = arith.index_cast %add3A_983 : i32 to index
        %swap3A_1012 = arith.index_cast %add3A_1010 : i32 to index
        %swap3A_1013 = tpu.vector_load %arg9[%swap3A_1011, %swap3A_1012] {strides = array<i32>} : memref<512x128xf32, #tpu.memory_space<vmem>>, vector<16xf32>,
        tpu.vector_store %arg9[%swap3A_1011, %swap3A_1012], %gather3A_1008 {strides = array<i32>} : memref<512x128xf32, #tpu.memory_space<vmem>>, vector<16xf32>,
        %add3A_1014 = arith.addi %mul3A_981, %iota3A : vector<16xi32>
        %add3A_1015 = arith.constant 48 : i32
        %add3A_1016 = vector.broadcast %add3A_1015 : i32 to vector<16xi32>
        %add3A_1017 = arith.addi %add3A_1014, %add3A_1016 : vector<16xi32>
        %gather3A_1018 = tpu.vector_load_idx %arg8[%broadcast_in_dim3A_982, %add3A_1017] : memref<128x128xf32, #tpu.memory_space<vmem>>[vector<16xi32>, vector<16xi32>], vector<16xf32>,
        %add3A_1019 = arith.constant 48 : i32
        %add3A_1020 = arith.addi %mul3A_959, %add3A_1019 : i32
        %swap3A_1021 = arith.index_cast %add3A_983 : i32 to index
        %swap3A_1022 = arith.index_cast %add3A_1020 : i32 to index
        %swap3A_1023 = tpu.vector_load %arg9[%swap3A_1021, %swap3A_1022] {strides = array<i32>} : memref<512x128xf32, #tpu.memory_space<vmem>>, vector<16xf32>,
        tpu.vector_store %arg9[%swap3A_1021, %swap3A_1022], %gather3A_1018 {strides = array<i32>} : memref<512x128xf32, #tpu.memory_space<vmem>>, vector<16xf32>,
      }
      %scan3A_964 = arith.constant 128 : i32
    }
    %scan3A_903 = arith.constant 4 : i32
    %mul3A_904 = arith.constant 512 : i32
    %mul3A_905 = arith.muli %add3A, %mul3A_904 : i32
    "tpu.region"() ({
      %run_scoped3A_906 = tpu.sem_alloc : memref<!tpu.dma_semaphore, #tpu.memory_space<semaphore_mem>>
      %dma_start3A_907 = arith.constant 0 : i32
      %dma_start3A_908 = tpu.memref_slice %arg4[%mul3A_905, %dma_start3A_907] : memref<16384x128xf32, #tpu.memory_space<hbm>> -> memref<512x128xf32, #tpu.memory_space<hbm>>
      %dma_start3A_909 = arith.constant 0 : i32
      %dma_start3A_910 = tpu.memref_slice %arg4[%mul3A_905, %dma_start3A_909] : memref<16384x128xf32, #tpu.memory_space<hbm>> -> memref<512x128xf32, #tpu.memory_space<hbm>>
      tpu.enqueue_dma source(%arg9 : memref<512x128xf32, #tpu.memory_space<vmem>>) target(%dma_start3A_910 : memref<512x128xf32, #tpu.memory_space<hbm>>) target_semaphore(%run_scoped3A_906 : memref<!tpu.dma_semaphore, #tpu.memory_space<semaphore_mem>>)
      %dma_wait3A = arith.constant 0 : i32
      %dma_wait3A_911 = tpu.memref_slice %arg4[%mul3A_905, %dma_wait3A] : memref<16384x128xf32, #tpu.memory_space<hbm>> -> memref<512x128xf32, #tpu.memory_space<hbm>>
      %dma_wait3A_912 = arith.constant 0 : i32
      %dma_wait3A_913 = tpu.memref_slice %arg4[%mul3A_905, %dma_wait3A_912] : memref<16384x128xf32, #tpu.memory_space<hbm>> -> memref<512x128xf32, #tpu.memory_space<hbm>>
      tpu.wait_dma2 semaphore(%run_scoped3A_906 : memref<!tpu.dma_semaphore, #tpu.memory_space<semaphore_mem>>) src(%arg9 : memref<512x128xf32, #tpu.memory_space<vmem>>) dst(%dma_wait3A_913 : memref<512x128xf32, #tpu.memory_space<hbm>>)
      tpu.yield
    }) : () -> ()
    return
  }
}

module attributes {stable_mosaic.version = 14 : i64} {
  func.func @_pack_body(%arg0: i32, %arg1: memref<64x32768xf32, #tpu.memory_space<vmem>>, %arg2: memref<16384x128xf32, #tpu.memory_space<vmem>>) attributes {dimension_semantics = [#tpu.dimension_semantics<arbitrary>], iteration_bounds = array<i64: 31>, scalar_prefetch = 0 : i64, scratch_operands = 0 : i64, tpu.core_type = #tpu.core_type<tc>, window_params = [{transform_indices = @transform_0, window_bounds = array<i64: 64, 32768>}, {transform_indices = @transform_1, window_bounds = array<i64: 16384, 128>}]} {
    %get3A = arith.constant 0 : index
    %get3A_0 = arith.constant 0 : index
    %get3A_1 = vector.load %arg1[%get3A, %get3A_0] : memref<64x32768xf32, #tpu.memory_space<vmem>>, vector<64x32768xf32>
    %slice3A = vector.extract_strided_slice %get3A_1 {offsets = [0, 0], sizes = [64, 16384], strides = [1, 1]} : vector<64x32768xf32> to vector<64x16384xf32>
    %slice3A_2 = vector.extract_strided_slice %get3A_1 {offsets = [0, 16384], sizes = [64, 16384], strides = [1, 1]} : vector<64x32768xf32> to vector<64x16384xf32>
    %concatenate3A = tpu.concatenate %slice3A, %slice3A_2 in 0 : vector<64x16384xf32>, vector<64x16384xf32> -> vector<128x16384xf32>
    %transpose3A = tpu.transpose %concatenate3A, [1, 0] : vector<128x16384xf32> -> vector<16384x128xf32>
    %swap3A = arith.constant 0 : index
    %swap3A_3 = arith.constant 0 : index
    %swap3A_4 = vector.load %arg2[%swap3A, %swap3A_3] : memref<16384x128xf32, #tpu.memory_space<vmem>>, vector<16384x128xf32>
    tpu.vector_store %arg2[%swap3A, %swap3A_3], %transpose3A {strides = array<i32>} : memref<16384x128xf32, #tpu.memory_space<vmem>>, vector<16384x128xf32>,
    return
  }
  func.func @transform_0(%arg0: i32) -> (i32, i32) {
    %c0_i32 = arith.constant 0 : i32
    %c0_i32_0 = arith.constant 0 : i32
    return %c0_i32, %arg0 : i32, i32
  }
  func.func @transform_1(%arg0: i32) -> (i32, i32) {
    %c0_i32 = arith.constant 0 : i32
    %c0_i32_0 = arith.constant 0 : i32
    return %arg0, %c0_i32 : i32, i32
  }
}

module attributes {stable_mosaic.version = 14 : i64} {
  func.func @_mlp_body(%arg0: i32, %arg1: memref<2048x128xf32, #tpu.memory_space<vmem>>, %arg2: memref<128x128xf32, #tpu.memory_space<vmem>>, %arg3: memref<1x128xf32, #tpu.memory_space<vmem>>, %arg4: memref<1x128xf32, #tpu.memory_space<vmem>>, %arg5: memref<1x128xf32, #tpu.memory_space<vmem>>, %arg6: memref<2xf32, #tpu.memory_space<smem>>, %arg7: memref<1x2048xf32, #tpu.memory_space<vmem>>, %arg8: memref<1x2048xf32, #tpu.memory_space<vmem>>) attributes {dimension_semantics = [#tpu.dimension_semantics<arbitrary>], iteration_bounds = array<i64: 8>, scalar_prefetch = 0 : i64, scratch_operands = 0 : i64, tpu.core_type = #tpu.core_type<tc>, window_params = [{transform_indices = @transform_0, window_bounds = array<i64: 2048, 128>}, {pipeline_mode = #tpu.pipeline_mode<synchronous>, transform_indices = @transform_1, window_bounds = array<i64: 128, 128>}, {pipeline_mode = #tpu.pipeline_mode<synchronous>, transform_indices = @transform_2, window_bounds = array<i64: 1, 128>}, {pipeline_mode = #tpu.pipeline_mode<synchronous>, transform_indices = @transform_3, window_bounds = array<i64: 1, 128>}, {pipeline_mode = #tpu.pipeline_mode<synchronous>, transform_indices = @transform_4, window_bounds = array<i64: 1, 128>}, {transform_indices = @transform_5, window_bounds = array<i64: 2>}, {transform_indices = @transform_6, window_bounds = array<i64: 1, 2048>}, {transform_indices = @transform_7, window_bounds = array<i64: 1, 2048>}]} {
    %get3A = arith.constant 0 : index
    %get3A_0 = arith.constant 0 : index
    %get3A_1 = vector.load %arg1[%get3A, %get3A_0] : memref<2048x128xf32, #tpu.memory_space<vmem>>, vector<2048x128xf32>
    %get3A_2 = arith.constant 0 : index
    %get3A_3 = arith.constant 0 : index
    %get3A_4 = vector.load %arg2[%get3A_2, %get3A_3] : memref<128x128xf32, #tpu.memory_space<vmem>>, vector<128x128xf32>
    %dot_general3A = arith.constant dense<0.000000e+00> : vector<2048x128xf32>
    %dot_general3A_5 = tpu.matmul %get3A_1, %get3A_4, %dot_general3A {dimension_numbers = #tpu.dot_dimension_numbers<[1], [0], [0], [1], [0, 0, 1, 1], [], []>, transpose_lhs_hint = false} : vector<2048x128xf32>, vector<128x128xf32>, vector<2048x128xf32> -> vector<2048x128xf32>
    %get3A_6 = arith.constant 0 : index
    %get3A_7 = arith.constant 0 : index
    %get3A_8 = vector.load %arg3[%get3A_6, %get3A_7] : memref<1x128xf32, #tpu.memory_space<vmem>>, vector<1x128xf32>
    %add3A = vector.broadcast %get3A_8 : vector<1x128xf32> to vector<2048x128xf32>
    %add3A_9 = arith.addf %dot_general3A_5, %add3A : vector<2048x128xf32>
    %max3A = arith.constant 0.000000e+00 : f32
    %max3A_10 = vector.broadcast %max3A : f32 to vector<2048x128xf32>
    %max3A_11 = arith.maximumf %add3A_9, %max3A_10 : vector<2048x128xf32>
    %get3A_12 = arith.constant 0 : index
    %get3A_13 = arith.constant 0 : index
    %get3A_14 = vector.load %arg4[%get3A_12, %get3A_13] : memref<1x128xf32, #tpu.memory_space<vmem>>, vector<1x128xf32>
    %mul3A = vector.broadcast %get3A_14 : vector<1x128xf32> to vector<2048x128xf32>
    %mul3A_15 = arith.mulf %max3A_11, %mul3A : vector<2048x128xf32>
    %reduce_sum3A = arith.constant dense<0.000000e+00> : vector<2048xf32>
    %reduce_sum3A_16 = vector.multi_reduction <add>, %mul3A_15, %reduce_sum3A [1] : vector<2048x128xf32> to vector<2048xf32>
    %broadcast_in_dim3A = vector.shape_cast %reduce_sum3A_16 : vector<2048xf32> to vector<2048x1xf32>
    %get3A_17 = arith.constant 0 : index
    %get3A_18 = memref.load %arg6[%get3A_17] : memref<2xf32, #tpu.memory_space<smem>>
    %add3A_19 = vector.broadcast %get3A_18 : f32 to vector<2048x1xf32>
    %add3A_20 = arith.addf %broadcast_in_dim3A, %add3A_19 : vector<2048x1xf32>
    %get3A_21 = arith.constant 0 : index
    %get3A_22 = arith.constant 0 : index
    %get3A_23 = vector.load %arg5[%get3A_21, %get3A_22] : memref<1x128xf32, #tpu.memory_space<vmem>>, vector<1x128xf32>
    %mul3A_24 = vector.broadcast %get3A_23 : vector<1x128xf32> to vector<2048x128xf32>
    %mul3A_25 = arith.mulf %max3A_11, %mul3A_24 : vector<2048x128xf32>
    %reduce_sum3A_26 = arith.constant dense<0.000000e+00> : vector<2048xf32>
    %reduce_sum3A_27 = vector.multi_reduction <add>, %mul3A_25, %reduce_sum3A_26 [1] : vector<2048x128xf32> to vector<2048xf32>
    %broadcast_in_dim3A_28 = vector.shape_cast %reduce_sum3A_27 : vector<2048xf32> to vector<2048x1xf32>
    %get3A_29 = arith.constant 1 : index
    %get3A_30 = memref.load %arg6[%get3A_29] : memref<2xf32, #tpu.memory_space<smem>>
    %add3A_31 = vector.broadcast %get3A_30 : f32 to vector<2048x1xf32>
    %add3A_32 = arith.addf %broadcast_in_dim3A_28, %add3A_31 : vector<2048x1xf32>
    %logistic3A = arith.negf %add3A_20 : vector<2048x1xf32>
    %logistic3A_33 = math.exp %logistic3A : vector<2048x1xf32>
    %logistic3A_34 = arith.constant 1.000000e+00 : f32
    %logistic3A_35 = vector.broadcast %logistic3A_34 : f32 to vector<2048x1xf32>
    %logistic3A_36 = arith.addf %logistic3A_35, %logistic3A_33 : vector<2048x1xf32>
    %logistic3A_37 = arith.divf %logistic3A_35, %logistic3A_36 : vector<2048x1xf32>
    %transpose3A = tpu.transpose %logistic3A_37, [1, 0] : vector<2048x1xf32> -> vector<1x2048xf32>
    %swap3A = arith.constant 0 : index
    %swap3A_38 = arith.constant 0 : index
    %swap3A_39 = vector.load %arg7[%swap3A, %swap3A_38] : memref<1x2048xf32, #tpu.memory_space<vmem>>, vector<1x2048xf32>
    tpu.vector_store %arg7[%swap3A, %swap3A_38], %transpose3A {strides = array<i32>} : memref<1x2048xf32, #tpu.memory_space<vmem>>, vector<1x2048xf32>,
    %logistic3A_40 = arith.negf %add3A_32 : vector<2048x1xf32>
    %logistic3A_41 = math.exp %logistic3A_40 : vector<2048x1xf32>
    %logistic3A_42 = arith.constant 1.000000e+00 : f32
    %logistic3A_43 = vector.broadcast %logistic3A_42 : f32 to vector<2048x1xf32>
    %logistic3A_44 = arith.addf %logistic3A_43, %logistic3A_41 : vector<2048x1xf32>
    %logistic3A_45 = arith.divf %logistic3A_43, %logistic3A_44 : vector<2048x1xf32>
    %transpose3A_46 = tpu.transpose %logistic3A_45, [1, 0] : vector<2048x1xf32> -> vector<1x2048xf32>
    %swap3A_47 = arith.constant 0 : index
    %swap3A_48 = arith.constant 0 : index
    %swap3A_49 = vector.load %arg8[%swap3A_47, %swap3A_48] : memref<1x2048xf32, #tpu.memory_space<vmem>>, vector<1x2048xf32>
    tpu.vector_store %arg8[%swap3A_47, %swap3A_48], %transpose3A_46 {strides = array<i32>} : memref<1x2048xf32, #tpu.memory_space<vmem>>, vector<1x2048xf32>,
    return
  }
  func.func @transform_0(%arg0: i32) -> (i32, i32) {
    %c0_i32 = arith.constant 0 : i32
    %c0_i32_0 = arith.constant 0 : i32
    return %arg0, %c0_i32 : i32, i32
  }
  func.func @transform_1(%arg0: i32) -> (i32, i32) {
    %c0_i32 = arith.constant 0 : i32
    %c0_i32_0 = arith.constant 0 : i32
    %c0_i32_1 = arith.constant 0 : i32
    return %c0_i32, %c0_i32_0 : i32, i32
  }
  func.func @transform_2(%arg0: i32) -> (i32, i32) {
    %c0_i32 = arith.constant 0 : i32
    %c0_i32_0 = arith.constant 0 : i32
    %c0_i32_1 = arith.constant 0 : i32
    return %c0_i32, %c0_i32_0 : i32, i32
  }
  func.func @transform_3(%arg0: i32) -> (i32, i32) {
    %c0_i32 = arith.constant 0 : i32
    %c0_i32_0 = arith.constant 0 : i32
    %c0_i32_1 = arith.constant 0 : i32
    return %c0_i32, %c0_i32_0 : i32, i32
  }
  func.func @transform_4(%arg0: i32) -> (i32, i32) {
    %c0_i32 = arith.constant 0 : i32
    %c0_i32_0 = arith.constant 0 : i32
    %c0_i32_1 = arith.constant 0 : i32
    return %c0_i32, %c0_i32_0 : i32, i32
  }
  func.func @transform_5(%arg0: i32) -> i32 {
    %c0_i32 = arith.constant 0 : i32
    %c0_i32_0 = arith.constant 0 : i32
    return %c0_i32 : i32
  }
  func.func @transform_6(%arg0: i32) -> (i32, i32) {
    %c0_i32 = arith.constant 0 : i32
    %c0_i32_0 = arith.constant 0 : i32
    return %c0_i32, %arg0 : i32, i32
  }
  func.func @transform_7(%arg0: i32) -> (i32, i32) {
    %c0_i32 = arith.constant 0 : i32
    %c0_i32_0 = arith.constant 0 : i32
    return %c0_i32, %arg0 : i32, i32
  }
}

</mosaic_0001>

<sc_bundles>
// kernel: kernel.5.cloned.1.call-start
scs
__scs_entry_jumppad:
0x0: {  	(pc) =	sbr.rel $0x88, $3  }
0x1: {  	(tag) =	ssettag $0x0;
	lr =	simm.s32 $0x1  }
0x2: {  	[smem:$0x3F99] =	sst lr;
	_ =	strace $0xD0000000  }
0x3: {  	_ = 	snop  }
0x4: {  	_ = 	snop  }
0x5: {  	_ = 	snop  }
0x6: {  	_ = 	snop  }
0x7: {  	_ = 	snop  }
__scs_overlays_trampoline_lowered:
0x8: {  	[smem:$0x3FA8] =	sst s0  }
0x9: {  	[smem:$0x3FA9] =	sst s1  }
0xa: {  	[smem:$0x3FAA] =	sst s2  }
0xb: {  	[smem:$0x3FAB] =	sst s3  }
0xc: {  	[smem:$0x3FAC] =	sst s4  }
0xd: {  	[smem:$0x3FAD] =	sst s5  }
0xe: {  	[smem:$0x3FAE] =	sst s6  }
0xf: {  	[smem:$0x3FAF] =	sst s7  }
0x10: {  	[smem:$0x3FB0] =	sst s8  }
0x11: {  	[smem:$0x3FB1] =	sst s9;
	s0 =	simm.s32 @!p0 $0x0  }
0x12: {  	s1 =	sld [smem:$0x3F97];
	s0 =	simm.s32 @p0 $0x1  }
0x13: {  	[smem:$0x3FB2] =	sst s0;
	s0 =	simm.s32 @!p1 $0x0  }
0x14: {  	s2 =	sld [smem:$0x3F96];
	s0 =	simm.s32 @p1 $0x1  }
0x15: {  	[smem:$0x3FB3] =	sst s0;
	s0 =	simm.s32 @!p2 $0x0  }
0x16: {  	s3 =	sld [smem:$0x3FDB];
	s0 =	simm.s32 @p2 $0x1  }
0x17: {  	s4 =	simm.s32 $0x1BF5;
	[smem:$0x3FB5] =	sst s0  }
0x18: {  	s0 =	sld [smem:$0x3F98];
	_ =	swait.ge [sflag:s4], $0x0  }
0x19: {  	s7 =	sld [smem:$0x3F99]  }
0x1a: {  	s8 =	sadd.s32 $0xFFFFE003, lr  }
0x1b: {  	s9 =	sadd.s32 $0xFFFFFEF7, lr;
	s5 =	simm.s32 $0xFFFFFFFF;
	p2 =	slt.u32 s8, $0xFFFFF086  }
0x1c: {  	p1 =	slt.u32 s9, $0xF7A;
	s5 =	simm.s32 @!p2 $0x0  }
0x1d: {  	s5 =	simm.s32 @p1 $0x1;
	p0 =	seq.s32 s7, s2  }
0x1e: {  	s7 =	smul.u32 @!p0 $0xF7A, s2;
	p2 =	seq.s32 @!p0 s5, $0x0  }
0x1f: {  	s9 =	smul.u32 $0xF7A, s1;
	s8 =	simm.s32 @!p0 $0x1BF5;
	p2 =	por !p2, p0  }
0x20: {  	[sflag:s8] =	ssyncset.s32 @!p0 $0xFFFFF086;
	s6 =	sadd.s32 @!p0 s3, s7;
	s7 =	simm.s32 @!p0 $0x108  }
0x21: {  	s3 =	sadd.s32 s3, s9;
	s6 =	sadd.s32 @!p0 $0x88, s6;
	s7 =	simm.s32 @p2 $0x1082  }
0x22: {  	[simem:s7], [sflag:s8] =	dma.local @!p0 [hbm:s6], $0xF7A  }
0x23: {  	s9 =	sor.u32 $0xD0000000, s2;
	s6 =	simm.s32 $0x108;
	_ =	swait.ge @!p0 [sflag:s8], $0x0  }
0x24: {  	s3 =	sadd.s32 $0x88, s3;
	s6 =	simm.s32 @!p1 $0x1082;
	[sflag:s4] =	ssyncset.s32 $0xFFFFF086  }
0x25: {  	[simem:s6], [sflag:s4] =	dma.local [hbm:s3], $0xF7A  }
0x26: {  	[smem:$0x3F99] =	sst s1;
	(tag) =	ssettag s2;
	_ =	strace s9  }
0x27: {  	s1 =	sld [smem:$0x3FA9]  }
0x28: {  	s2 =	sld [smem:$0x3FAA]  }
0x29: {  	s4 =	sld [smem:$0x3FAC]  }
0x2a: {  	p0 =	seq.s32 s5, $0x0;
	s5 =	sld [smem:$0x3FAD]  }
0x2b: {  	s6 =	sld [smem:$0x3FAE]  }
0x2c: {  	s7 =	sld [smem:$0x3FAF]  }
0x2d: {  	s3 =	simm.s32 $0x108;
	s8 =	sld [smem:$0x3FB0]  }
0x2e: {  	s3 =	simm.s32 @!p0 $0x1082;
	s9 =	sld [smem:$0x3FB1]  }
0x2f: {  	lr =	sadd.s32 s0, s3;
	s0 =	sld [smem:$0x3FA8]  }
0x30: {  	s3 =	sld [smem:$0x3FAB]  }
0x31: {  	[smem:$0x3FB4] =	sst s10  }
0x32: {  	s10 =	sld [smem:$0x3FB2];
	_ =	sdelay $0x3  }
0x33: {  	p0 =	seq.s32 s10, $0x1;
	s10 =	sld [smem:$0x3FB4];
	_ =	sdelay $0x3  }
0x34: {  	[smem:$0x3FB4] =	sst s10  }
0x35: {  	s10 =	sld [smem:$0x3FB3];
	_ =	sdelay $0x3  }
0x36: {  	p1 =	seq.s32 s10, $0x1;
	s10 =	sld [smem:$0x3FB4];
	_ =	sdelay $0x3  }
0x37: {  	[smem:$0x3FB4] =	sst s10  }
0x38: {  	s10 =	sld [smem:$0x3FB5]  }
0x39: {  	_ = 	snop;
	(pc) =	sbr.ind lr, $3  }
0x3a: {  	_ = 	snop  }
0x3b: {  	_ = 	snop  }
0x3c: {  	p2 =	seq.s32 s10, $0x1;
	s10 =	sld [smem:$0x3FB4]  }
0x3d: {  	_ =	shalt  }
0x3e: {  	_ =	shalt  }
0x3f: {  	_ =	shalt  }
0x40: {  	_ =	shalt  }
0x41: {  	_ =	shalt  }
0x42: {  	_ =	shalt  }
0x43: {  	_ =	shalt  }
0x44: {  	_ =	shalt  }
0x45: {  	_ =	shalt  }
0x46: {  	_ =	shalt  }
0x47: {  	_ =	shalt  }
0x48: {  	_ =	shalt  }
0x49: {  	_ =	shalt  }
0x4a: {  	_ =	shalt  }
0x4b: {  	_ =	shalt  }
0x4c: {  	_ =	shalt  }
0x4d: {  	_ =	shalt  }
0x4e: {  	_ =	shalt  }
0x4f: {  	_ =	shalt  }
0x50: {  	_ =	shalt  }
0x51: {  	_ =	shalt  }
0x52: {  	_ =	shalt  }
0x53: {  	_ =	shalt  }
0x54: {  	_ =	shalt  }
0x55: {  	_ =	shalt  }
0x56: {  	_ =	shalt  }
0x57: {  	_ =	shalt  }
0x58: {  	_ =	shalt  }
0x59: {  	_ =	shalt  }
0x5a: {  	_ =	shalt  }
0x5b: {  	_ =	shalt  }
0x5c: {  	_ =	shalt  }
0x5d: {  	_ =	shalt  }
0x5e: {  	_ =	shalt  }
0x5f: {  	_ =	shalt  }
0x60: {  	_ =	shalt  }
0x61: {  	_ =	shalt  }
0x62: {  	_ =	shalt  }
0x63: {  	_ =	shalt  }
0x64: {  	_ =	shalt  }
0x65: {  	_ =	shalt  }
0x66: {  	_ =	shalt  }
0x67: {  	_ =	shalt  }
0x68: {  	_ =	shalt  }
0x69: {  	_ =	shalt  }
0x6a: {  	_ =	shalt  }
0x6b: {  	_ =	shalt  }
0x6c: {  	_ =	shalt  }
0x6d: {  	_ =	shalt  }
0x6e: {  	_ =	shalt  }
0x6f: {  	_ =	shalt  }
0x70: {  	_ =	shalt  }
0x71: {  	_ =	shalt  }
0x72: {  	_ =	shalt  }
0x73: {  	_ =	shalt  }
0x74: {  	_ =	shalt  }
0x75: {  	_ =	shalt  }
0x76: {  	_ =	shalt  }
0x77: {  	_ =	shalt  }
0x78: {  	_ =	shalt  }
0x79: {  	_ =	shalt  }
0x7a: {  	_ =	shalt  }
0x7b: {  	_ =	shalt  }
0x7c: {  	_ =	shalt  }
0x7d: {  	_ =	shalt  }
0x7e: {  	_ =	shalt  }
0x7f: {  	_ =	shalt  }
0x80: {  	_ =	shalt  }
0x81: {  	_ =	shalt  }
0x82: {  	_ =	shalt  }
0x83: {  	_ =	shalt  }
0x84: {  	_ =	shalt  }
0x85: {  	_ =	shalt  }
0x86: {  	_ =	shalt  }
0x87: {  	_ =	shalt  }
.Lfunc_end0:
.L_simem_size_0:
called_computation_lowered:
.L_overlay_start_0:
0x88: {  	s2 =	sld [smem:$0x3FD9]  }
0x89: {  	s3 =	sld [smem:$0x3FFE];
	_ =	sdelay $0x1  }
0x8a: {  	s1 =	srdreg.scid  }
0x8b: {  	s0 =	sand.u32 $0x1, s1  }
0x8c: {  	s17 =	sshll.u32 s0, $0xA;
	s2 =	sadd.s32 s3, s2  }
0x8d: {  	s2 =	sadd.s32 s2, s17  }
0x8e: {  	[smem:$0x3FC0] =	sst s2  }
0x8f: {  	_ = 	snop  }
0x90: {  	s2 =	sld [smem:$0x3FC9];
	(tm) =	ssettm $0x1  }
0x91: {  	s18 =	sld [smem:$0x3FFB];
	_ =	sdelay $0x3  }
0x92: {  	_ =	strace s18  }
0x93: {  	s3 =	sld [smem:$0x3FFC];
	_ =	sdelay $0x3  }
0x94: {  	_ =	strace s3  }
0x95: {  	s3 =	sld [smem:$0x3FFD];
	_ =	sdelay $0x3  }
0x96: {  	_ =	strace s3  }
0x97: {  	_ =	strace $0x8FFFFFFF  }
0x98: {  	s19 =	sld [smem:$0x3FDB];
	_ =	sdelay $0x1  }
0x99: {  	s4 =	simm.s32 $_scs_section_size  }
0x9a: {  	s5 =	simm.s32 $_size__tile_overlayer_lowered;
	s6 =	simm.s32 $_tile_overlayer_lowered  }
0x9b: {  	s22 =	simm.s32 $0x1BFF;
	s21 =	sshll.u32 s6, $0x1;
	s3 =	sadd.s32 s4, s19  }
0x9c: {  	s7 =	simm.s32 $0x0;
	s20 =	sshll.u32 s5, $0x1;
	s5 =	sadd.s32 s21, s3  }
0x9d: {  	[timem:s7], [sflag:s22] =	dma.local [hbm:s5], s20  }
0x9e: {  	_ =	swait.ge [sflag:s22], s20  }
0x9f: {  	s4 =	ssub.s32 $0x0, s20;
	[sflag:s22] =	ssyncset.done $0x0  }
0xa0: {  	[sflag:s22] =	ssyncadd.s32 s4;
	_ =	sdelay $0x1  }
0xa1: {  	s23 =	simm.s32 $0x1B8B  }
0xa2: {  	_ =	swait.ge [sflag:s23], $0x1  }
0xa3: {  	[sflag:s23] =	ssyncset.done $0x0  }
0xa4: {  	s25 =	simm.s32 $0x1B8E;
	s24 =	sld [smem:$0x3FFE];
	[sflag:s23] =	ssyncadd.s32 $0xFFFFFFFF  }
0xa5: {  	s26 =	simm.s32 $execute0_lowered;
	[smem:$0x3FD2] =	sst s25  }
0xa6: {  	s5 =	sshll.u32 s26, $0x1;
	_ =	strace $0x80000046;
	[dreg:$0x1] =	wrdreg $0xFFFFFFFF  }
0xa7: {  	s28 =	simm.s32 $_size_execute0_lowered;
	s3 =	sadd.s32 s3, s5;
	[dreg:$0x0] =	wrdreg $0x0  }
0xa8: {  	s5 =	sshll.u32 s28, $0x1;
	[dreg:$0x2] =	wrdreg s3  }
0xa9: {  	[dreg:$0x3] =	wrdreg s5  }
0xaa: {  	[dreg:$0x4] =	wrdreg $0xC0  }
0xab: {  	_ =	task [dreg:s7], $0x5FFFF  }
0xac: {  	[dreg:$0x1] =	wrdreg $0xFFFFFFFF  }
0xad: {  	[dreg:$0x0] =	wrdreg $0x60  }
0xae: {  	[dreg:$0x2] =	wrdreg s2  }
0xaf: {  	[dreg:$0x3] =	wrdreg s24  }
0xb0: {  	[dreg:$0x4] =	wrdreg $0x9  }
0xb1: {  	_ =	task.clear_ibuf [dreg:s7], $0x5FFFF;
	_ =	strace $0x90000046  }
0xb2: {  	s29 =	simm.s32 $0x9;
	_ =	strace $0x80000048  }
0xb3: {  	_ =	swait.ge [sflag:s29], $0x1  }
0xb4: {  	[sflag:s29] =	ssyncadd.s32 $0xFFFFFFFF  }
0xb5: {  	_ =	strace $0x90000048  }
0xb6: {  	_ =	sfence  }
0xb7: {  	s30 =	sld [smem:$0x0];
	_ =	sdelay $0x2  }
0xb8: {  	s31 =	sshll.u32 s1, $0xD;
	s1 =	sshrl.u32 s1, $0x2  }
0xb9: {  	s3 =	sand.u32 $0x4000, s31;
	s1 =	sadd.s32 s1, s30  }
0xba: {  	s0 =	sor.u32 s3, s0;
	s1 =	sshll.u32 s1, $0x11  }
0xbb: {  	s0 =	sor.u32 s1, s0  }
0xbc: {  	s0 =	sadd.s32 $0x8F2B, s0  }
0xbd: {  	[sflag:s0] =	ssyncadd.remote.s32 $0x1  }
0xbe: {  	_ =	sfence.sel $0xFFFF  }
0xbf: {  	[dreg:$0x0] =	wrdreg $0xFFFFFFFF;
	(pc) =	sbr.abs _section_cstart, $3  }
0xc0: {  	[dreg:$0x1] =	wrdreg $0xFFFFFFFF  }
0xc1: {  	_ =	task.clear_ibuf [dreg:s7], $0x2FFFF;
	_ =	strace $0x9FFFFFFF  }
0xc2: {  	(tm) =	ssettm $0x7FFFFFFF  }
0xc3: {  	_ =	shalt  }
tec
execute0_lowered:
.L_overlay_start_1:
0x0: {  	(tag) =	ssettag $0x1  }
0x1: {  	s4 =	rddreg [dreg:$0x0]  }
0x2: {  	s5 =	rddreg [dreg:$0x1]  }
0x3: {  	s0 =	rddreg [dreg:$0x2];
	s3 =	srdreg.scid  }
0x4: {  	s2 =	simm.s32 $0x0;
	s1 =	stileid.u32;
	s9 =	simm.s32 $0x3  }
0x5: {  	s10 =	simm.s32 $0x200;
	s11 =	simm.s32 $0x400;
	s12 =	simm.s32 $0x800  }
0x6: {  	s13 =	simm.s32 $0x1;
	s14 =	simm.s32 $0x80;
	s15 =	simm.s32 $0x4800  }
0x7: {  	s16 =	simm.s32 $0x2;
	s17 =	simm.s32 $0x8800;
	s18 =	simm.s32 $0x0  }
0x8: {  	s6 =	sand.u32 $0x1, s3;
	[smem:$0x7FF] =	sst s2;
	s7 =	sshll.u32 s1, $0xA  }
0x9: {  	s3 =	sadd.s32 $0x1000, s5;
	s8 =	sshll.u32 s6, $0x9;
	s6 =	ssub.s32 $0x2, s6  }
0xa: {  	_ =	strace $0x80000047;
	s7 =	sor.u32 s8, s7;
	s30 =	sshrl.u32 s6, $0x1  }
0xb: {  	s8 =	sshll.u32 s7, $0x4;
	s7 =	sshrl.u32 s7, $0x2;
	s31 =	ssub.s32 s6, s30  }
0xc: {  	s8 =	sadd.s32 s8, s5;
	s4 =	sadd.s32 s4, s7;
	s7 =	smax.u32 s31, $0x1  }
0xd: {  	v0 =	vlaneseq.u32;
	s5 =	sadd.s32 $0x10, s4;
	s6 =	sadd.s32 $0x7C1000, s8;
	s8 =	simm.s32 $0x100  }
.LBB2_1:
0xe: {  	[tilespmem:s2], [sflag:$0x3] =	stream.strided.gather [hbm4b:s4+s14], $0x200, s8, s14, $0x38;
	[tilespmem:$0x18800] =	vst v63  }
0xf: {  	_ =	swait.ge [sflag:s9], $0x200  }
0x10: {  	[sflag:s9] =	ssyncset.done $0x0  }
0x11: {  	[sflag:s9] =	ssyncadd.s32 $0xFFFFFE00  }
0x12: {  	[tilespmem:s10], [sflag:$0x3] =	stream.strided.gather [hbm4b:s5+s14], $0x200, s8, s14, $0x38;
	[tilespmem:$0x18800] =	vst v63  }
0x13: {  	_ =	swait.ge [sflag:s9], $0x200  }
0x14: {  	[sflag:s9] =	ssyncset.done $0x0  }
0x15: {  	[sflag:s9] =	ssyncadd.s32 $0xFFFFFE00  }
0x16: {  	v1 =	vld [tilespmem:$0x0]  }
0x17: {  	v2 =	vld [tilespmem:$0x10]  }
0x18: {  	v3 =	vld [tilespmem:$0x20]  }
0x19: {  	v4 =	vld [tilespmem:$0x30]  }
0x1a: {  	v6 =	vld [tilespmem:$0x40]  }
0x1b: {  	v8 =	vld [tilespmem:$0x50]  }
0x1c: {  	v25 =	vld [tilespmem:$0x60]  }
0x1d: {  	v10 =	vld [tilespmem:$0x70]  }
0x1e: {  	v11 =	vld [tilespmem:$0x80]  }
0x1f: {  	v30 =	vld [tilespmem:$0x90]  }
0x20: {  	v13 =	vld [tilespmem:$0xA0]  }
0x21: {  	v14 =	vld [tilespmem:$0xB0]  }
0x22: {  	v35 =	vld [tilespmem:$0xC0]  }
0x23: {  	v16 =	vld [tilespmem:$0xD0]  }
0x24: {  	v17 =	vld [tilespmem:$0xE0];
	v5 =	vshrl.u32 v1, $0x1;
	v7 =	vshrl.u32 v2, $0x1;
	v1 =	vand.u32 $0x3FFF, v1  }
0x25: {  	v40 =	vld [tilespmem:$0xF0];
	v2 =	vand.u32 $0x3FFF, v2;
	v24 =	vshrl.u32 v3, $0x1;
	v3 =	vand.u32 $0x3FFF, v3  }
0x26: {  	v19 =	vld [tilespmem:$0x100];
	v9 =	vshrl.u32 v4, $0x1;
	v27 =	vshrl.u32 v6, $0x1;
	v4 =	vand.u32 $0x3FFF, v4  }
0x27: {  	v20 =	vld [tilespmem:$0x110];
	v6 =	vand.u32 $0x3FFF, v6;
	v29 =	vshrl.u32 v8, $0x1;
	v8 =	vand.u32 $0x3FFF, v8  }
0x28: {  	v45 =	vld [tilespmem:$0x120];
	v12 =	vshrl.u32 v25, $0x1;
	v32 =	vshrl.u32 v10, $0x1;
	v10 =	vand.u32 $0x3FFF, v10  }
0x29: {  	v22 =	vld [tilespmem:$0x130];
	v34 =	vshrl.u32 v11, $0x1;
	v11 =	vand.u32 $0x3FFF, v11;
	v15 =	vshrl.u32 v30, $0x1  }
0x2a: {  	v23 =	vld [tilespmem:$0x140];
	v37 =	vshrl.u32 v13, $0x1;
	v13 =	vand.u32 $0x3FFF, v13;
	v39 =	vshrl.u32 v14, $0x1  }
0x2b: {  	v49 =	vld [tilespmem:$0x150];
	v14 =	vand.u32 $0x3FFF, v14;
	v18 =	vshrl.u32 v35, $0x1;
	v42 =	vshrl.u32 v16, $0x1  }
0x2c: {  	v16 =	vand.u32 $0x3FFF, v16;
	v44 =	vshrl.u32 v17, $0x1;
	v17 =	vand.u32 $0x3FFF, v17  }
0x2d: {  	v21 =	vshrl.u32 v40, $0x1;
	v47 =	vshrl.u32 v19, $0x1;
	v19 =	vand.u32 $0x3FFF, v19  }
0x2e: {  	v48 =	vshrl.u32 v20, $0x1;
	v50 =	vand.u32 $0x3FFF, v20;
	v51 =	vshrl.u32 v45, $0x1  }
0x2f: {  	v52 =	vshrl.u32 v22, $0x1;
	v54 =	vand.u32 $0x3FFF, v22;
	v56 =	vshrl.u32 v23, $0x1  }
0x30: {  	v55 =	vld [tilespmem:$0x170];
	v58 =	vand.u32 $0x3FFF, v23;
	v59 =	vshrl.u32 v49, $0x1;
	v63 =	vand.u32 $0x3FFF, v49  }
0x31: {  	v5 =	vand.u32 $0x7FFFC000, v5;
	v7 =	vand.u32 $0x7FFFC000, v7;
	v26 =	vand.u32 $0x7FFFC000, v9  }
0x32: {  	v9 =	vand.u32 $0x7FFFC000, v27;
	v31 =	vand.u32 $0x7FFFC000, v12;
	v12 =	vand.u32 $0x7FFFC000, v32  }
0x33: {  	v36 =	vand.u32 $0x7FFFC000, v15;
	v15 =	vand.u32 $0x7FFFC000, v37;
	v41 =	vand.u32 $0x7FFFC000, v18  }
0x34: {  	v18 =	vand.u32 $0x7FFFC000, v42;
	v46 =	vand.u32 $0x7FFFC000, v21;
	v21 =	vand.u32 $0x7FFFC000, v47  }
0x35: {  	v53 =	vand.u32 $0x7FFFC000, v52;
	v61 =	vand.u32 $0x7FFFC000, v59;
	v27 =	vshrl.u32 v55, $0x1  }
0x36: {  	v57 =	vld [tilespmem:$0x180];
	v1 =	vor.u32 v1, v5;
	v2 =	vor.u32 v2, v7;
	v5 =	vand.u32 $0x7FFFC000, v24  }
0x37: {  	v60 =	vld [tilespmem:$0x190];
	v4 =	vor.u32 v4, v26;
	v28 =	vor.u32 v6, v9;
	v6 =	vand.u32 $0x7FFFC000, v29  }
0x38: {  	v7 =	vand.u32 $0x3FFF, v25;
	v33 =	vor.u32 v10, v12;
	v10 =	vand.u32 $0x7FFFC000, v34  }
0x39: {  	v9 =	vand.u32 $0x3FFF, v30;
	v38 =	vor.u32 v13, v15;
	v13 =	vand.u32 $0x7FFFC000, v39  }
0x3a: {  	v12 =	vand.u32 $0x3FFF, v35;
	v43 =	vor.u32 v16, v18;
	v16 =	vand.u32 $0x7FFFC000, v44;
	[tilespmem:$0x400] =	vst v1  }
0x3b: {  	v15 =	vand.u32 $0x3FFF, v40;
	v29 =	vand.u32 $0x3FFF, v55;
	v30 =	vshrl.u32 v57, $0x1;
	[tilespmem:$0x410] =	vst v2  }
0x3c: {  	v34 =	vand.u32 $0x3FFF, v57;
	v35 =	vand.u32 $0x3FFF, v60;
	v3 =	vor.u32 v3, v5;
	[tilespmem:$0x430] =	vst v4  }
0x3d: {  	v22 =	vld [tilespmem:$0x260];
	v6 =	vor.u32 v8, v6;
	v7 =	vor.u32 v7, v31;
	v10 =	vor.u32 v11, v10;
	[tilespmem:$0x440] =	vst v28  }
0x3e: {  	v24 =	vld [tilespmem:$0x160];
	v9 =	vor.u32 v9, v36;
	v13 =	vor.u32 v14, v13;
	v12 =	vor.u32 v12, v41;
	[tilespmem:$0x470] =	vst v33  }
0x3f: {  	v26 =	vld [tilespmem:$0x1A0];
	v16 =	vor.u32 v17, v16;
	v15 =	vor.u32 v15, v46;
	v17 =	vor.u32 v19, v21;
	[tilespmem:$0x4A0] =	vst v38  }
0x40: {  	v1 =	vand.u32 $0x7FFFC000, v48;
	v2 =	vand.u32 $0x7FFFC000, v51;
	v4 =	vand.u32 $0x7FFFC000, v56;
	v28 =	vld [tilespmem:$0x1B0];
	[tilespmem:$0x420] =	vst v3  }
0x41: {  	v5 =	vor.u32 v63, v61;
	v31 =	vld [tilespmem:$0x1C0];
	v32 =	vand.u32 $0x7FFFC000, v30;
	v33 =	vshrl.u32 v60, $0x1;
	[tilespmem:$0x460] =	vst v7  }
0x42: {  	v36 =	vld [tilespmem:$0x1D0];
	v1 =	vor.u32 v50, v1;
	v3 =	vand.u32 $0x3FFF, v45;
	v4 =	vor.u32 v58, v4;
	[tilespmem:$0x480] =	vst v10  }
0x43: {  	v38 =	vld [tilespmem:$0x1E0];
	v7 =	vand.u32 $0x7FFFC000, v27;
	[tilespmem:$0x490] =	vst v9;
	v10 =	vand.u32 $0x7FFFC000, v33;
	v9 =	vor.u32 v34, v32  }
0x44: {  	v41 =	vld [tilespmem:$0x1F0];
	v2 =	vor.u32 v3, v2;
	v3 =	vor.u32 v54, v53;
	v7 =	vor.u32 v29, v7  }
0x45: {  	[tilespmem:$0x4D0] =	vst v43;
	v48 =	vld [tilespmem:$0x210];
	v10 =	vor.u32 v35, v10;
	v62 =	vshrl.u32 v24, $0x1;
	v25 =	vand.u32 $0x3FFF, v24  }
0x46: {  	v51 =	vld [tilespmem:$0x220];
	[tilespmem:$0x450] =	vst v6;
	v37 =	vshrl.u32 v26, $0x1;
	v39 =	vand.u32 $0x3FFF, v26;
	v6 =	vand.u32 $0x7FFFC000, v62  }
0x47: {  	v56 =	vld [tilespmem:$0x230];
	[tilespmem:$0x4B0] =	vst v13;
	v11 =	vand.u32 $0x7FFFC000, v37;
	v40 =	vshrl.u32 v28, $0x1;
	v43 =	vshrl.u32 v31, $0x1  }
0x48: {  	[tilespmem:$0x4C0] =	vst v12;
	v8 =	vand.u32 $0x3FFF, v28;
	v44 =	vand.u32 $0x3FFF, v31;
	v47 =	vshrl.u32 v36, $0x1  }
0x49: {  	[tilespmem:$0x4E0] =	vst v16;
	v49 =	vand.u32 $0x3FFF, v36;
	v50 =	vshrl.u32 v38, $0x1;
	v53 =	vshrl.u32 v41, $0x1  }
0x4a: {  	v45 =	vld [tilespmem:$0x200];
	[tilespmem:$0x520] =	vst v2;
	v2 =	vand.u32 $0x3FFF, v38;
	v55 =	vand.u32 $0x3FFF, v41;
	v61 =	vshrl.u32 v48, $0x1  }
0x4b: {  	[tilespmem:$0x4F0] =	vst v15;
	v58 =	vld [tilespmem:$0x240];
	v16 =	vshrl.u32 v51, $0x1;
	v20 =	vand.u32 $0x3FFF, v48;
	v21 =	vand.u32 $0x3FFF, v51  }
0x4c: {  	[tilespmem:$0x500] =	vst v17;
	v33 =	vld [tilespmem:$0x290];
	v24 =	vshrl.u32 v56, $0x1;
	v26 =	vand.u32 $0x3FFF, v56;
	v36 =	vshrl.u32 v22, $0x1  }
0x4d: {  	[tilespmem:$0x550] =	vst v5;
	v38 =	vand.u32 $0x3FFF, v22;
	v6 =	vor.u32 v25, v6;
	v11 =	vor.u32 v39, v11  }
0x4e: {  	[tilespmem:$0x510] =	vst v1;
	v42 =	vand.u32 $0x7FFFC000, v40;
	v14 =	vand.u32 $0x7FFFC000, v43;
	v52 =	vand.u32 $0x7FFFC000, v50  }
0x4f: {  	[tilespmem:$0x540] =	vst v4;
	v54 =	vand.u32 $0x7FFFC000, v53;
	v57 =	vshrl.u32 v45, $0x1;
	v60 =	vand.u32 $0x3FFF, v45  }
0x50: {  	v17 =	vld [tilespmem:$0x320];
	[tilespmem:$0x570] =	vst v7;
	v63 =	vand.u32 $0x7FFFC000, v61;
	v13 =	vand.u32 $0x7FFFC000, v16;
	v7 =	vand.u32 $0x7FFFC000, v24  }
0x51: {  	[tilespmem:$0x580] =	vst v9;
	v62 =	vld [tilespmem:$0x250];
	v27 =	vshrl.u32 v58, $0x1;
	v31 =	vand.u32 $0x3FFF, v58;
	v45 =	vshrl.u32 v33, $0x1  }
0x52: {  	[tilespmem:$0x530] =	vst v3;
	v28 =	vld [tilespmem:$0x280];
	v48 =	vand.u32 $0x3FFF, v33;
	v8 =	vor.u32 v8, v42;
	v46 =	vor.u32 v44, v14  }
0x53: {  	[tilespmem:$0x590] =	vst v10;
	v37 =	vld [tilespmem:$0x2A0];
	v14 =	vand.u32 $0x7FFFC000, v47;
	v2 =	vor.u32 v2, v52;
	v3 =	vor.u32 v55, v54  }
0x54: {  	v25 =	vld [tilespmem:$0x270];
	v59 =	vand.u32 $0x7FFFC000, v57;
	[tilespmem:$0x560] =	vst v6;
	v5 =	vor.u32 v20, v63;
	v23 =	vor.u32 v21, v13  }
0x55: {  	v40 =	vld [tilespmem:$0x2B0];
	v7 =	vor.u32 v26, v7;
	v29 =	vand.u32 $0x7FFFC000, v27;
	[tilespmem:$0x5A0] =	vst v11;
	v47 =	vand.u32 $0x7FFFC000, v45  }
0x56: {  	v50 =	vld [tilespmem:$0x2E0];
	v1 =	vor.u32 v49, v14;
	v4 =	vor.u32 v60, v59;
	[tilespmem:$0x5B0] =	vst v8;
	v34 =	vor.u32 v31, v29  }
0x57: {  	v58 =	vld [tilespmem:$0x300];
	v29 =	vshrl.u32 v17, $0x1;
	v31 =	vand.u32 $0x3FFF, v17;
	[tilespmem:$0x600] =	vst v4;
	v4 =	vor.u32 v48, v47  }
0x58: {  	v61 =	vld [tilespmem:$0x310];
	[tilespmem:$0x5C0] =	vst v46;
	v6 =	vand.u32 $0x7FFFC000, v29;
	v30 =	vshrl.u32 v62, $0x1;
	v32 =	vand.u32 $0x3FFF, v62  }
0x59: {  	v33 =	vld [tilespmem:$0x370];
	[tilespmem:$0x5E0] =	vst v2;
	v42 =	vshrl.u32 v28, $0x1;
	v43 =	vand.u32 $0x3FFF, v28;
	v49 =	vshrl.u32 v37, $0x1  }
0x5a: {  	[tilespmem:$0x5F0] =	vst v3;
	v53 =	vand.u32 $0x3FFF, v37;
	v10 =	vand.u32 $0x7FFFC000, v30;
	v39 =	vshrl.u32 v25, $0x1  }
0x5b: {  	v44 =	vld [tilespmem:$0x2C0];
	[tilespmem:$0x610] =	vst v5;
	v2 =	vand.u32 $0x3FFF, v25;
	v12 =	vand.u32 $0x7FFFC000, v42;
	v51 =	vand.u32 $0x7FFFC000, v49  }
0x5c: {  	v55 =	vld [tilespmem:$0x2F0];
	[tilespmem:$0x620] =	vst v23;
	v52 =	vshrl.u32 v40, $0x1;
	v54 =	vand.u32 $0x3FFF, v40;
	v63 =	vshrl.u32 v50, $0x1  }
0x5d: {  	v19 =	vld [tilespmem:$0x330];
	[tilespmem:$0x630] =	vst v7;
	v16 =	vand.u32 $0x3FFF, v50;
	v21 =	vshrl.u32 v58, $0x1;
	v24 =	vshrl.u32 v61, $0x1  }
0x5e: {  	v22 =	vld [tilespmem:$0x340];
	[tilespmem:$0x5D0] =	vst v1;
	v25 =	vand.u32 $0x3FFF, v58;
	v26 =	vand.u32 $0x3FFF, v61;
	v45 =	vshrl.u32 v33, $0x1  }
0x5f: {  	[tilespmem:$0x640] =	vst v34;
	v35 =	vor.u32 v32, v10;
	v10 =	vand.u32 $0x7FFFC000, v36;
	v41 =	vand.u32 $0x7FFFC000, v39  }
0x60: {  	v46 =	vld [tilespmem:$0x2D0];
	[tilespmem:$0x690] =	vst v4;
	v3 =	vor.u32 v43, v12;
	v5 =	vor.u32 v53, v51;
	v57 =	vshrl.u32 v44, $0x1  }
0x61: {  	v59 =	vand.u32 $0x3FFF, v44;
	v9 =	vand.u32 $0x7FFFC000, v63;
	v18 =	vshrl.u32 v55, $0x1;
	[tilespmem:$0x650] =	vst v35  }
0x62: {  	v27 =	vld [tilespmem:$0x350];
	v20 =	vand.u32 $0x3FFF, v55;
	v23 =	vand.u32 $0x7FFFC000, v21;
	v8 =	vand.u32 $0x7FFFC000, v24;
	[tilespmem:$0x680] =	vst v3  }
0x63: {  	v32 =	vshrl.u32 v19, $0x1;
	v36 =	vand.u32 $0x3FFF, v22;
	v1 =	vor.u32 v38, v10;
	[tilespmem:$0x6A0] =	vst v5  }
0x64: {  	v2 =	vor.u32 v2, v41;
	v10 =	vand.u32 $0x7FFFC000, v52;
	v7 =	vand.u32 $0x7FFFC000, v57;
	[tilespmem:$0x660] =	vst v1  }
0x65: {  	v47 =	vld [tilespmem:$0x3B0];
	v60 =	vshrl.u32 v46, $0x1;
	v3 =	vand.u32 $0x7FFFC000, v18;
	v4 =	vor.u32 v25, v23;
	[tilespmem:$0x670] =	vst v2  }
0x66: {  	v28 =	vor.u32 v26, v8;
	v34 =	vand.u32 $0x7FFFC000, v32;
	v35 =	vshrl.u32 v22, $0x1;
	[tilespmem:$0x700] =	vst v4  }
0x67: {  	v37 =	vld [tilespmem:$0x380];
	v38 =	vshrl.u32 v27, $0x1;
	v41 =	vand.u32 $0x3FFF, v27;
	v56 =	vor.u32 v54, v10;
	[tilespmem:$0x710] =	vst v28  }
0x68: {  	v30 =	vld [tilespmem:$0x360];
	v7 =	vor.u32 v59, v7;
	v62 =	vand.u32 $0x7FFFC000, v60;
	v1 =	vand.u32 $0x3FFF, v46;
	[tilespmem:$0x6B0] =	vst v56  }
0x69: {  	v49 =	vld [tilespmem:$0x3C0];
	v2 =	vor.u32 v16, v9;
	v3 =	vor.u32 v20, v3;
	v40 =	vand.u32 $0x7FFFC000, v38;
	[tilespmem:$0x6C0] =	vst v7  }
0x6a: {  	v58 =	vld [tilespmem:$0x3F0];
	v46 =	vand.u32 $0x3FFF, v33;
	v57 =	vshrl.u32 v47, $0x1;
	v59 =	vand.u32 $0x3FFF, v47;
	[tilespmem:$0x6E0] =	vst v2  }
0x6b: {  	v39 =	vld [tilespmem:$0x390];
	v1 =	vor.u32 v1, v62;
	v2 =	vand.u32 $0x3FFF, v19;
	v7 =	vand.u32 $0x7FFFC000, v35;
	[tilespmem:$0x6F0] =	vst v3  }
0x6c: {  	v43 =	vld [tilespmem:$0x3A0];
	v4 =	vor.u32 v41, v40;
	v48 =	vshrl.u32 v37, $0x1;
	v50 =	vand.u32 $0x3FFF, v37;
	[tilespmem:$0x6D0] =	vst v1  }
0x6d: {  	v1 =	vor.u32 v31, v6;
	v2 =	vor.u32 v2, v34;
	v3 =	vor.u32 v36, v7;
	[tilespmem:$0x750] =	vst v4  }
0x6e: {  	v52 =	vld [tilespmem:$0x3D0];
	v42 =	vshrl.u32 v30, $0x1;
	v6 =	vand.u32 $0x7FFFC000, v45;
	v60 =	vshrl.u32 v49, $0x1;
	[tilespmem:$0x720] =	vst v1  }
0x6f: {  	v63 =	vshrl.u32 v58, $0x1;
	v44 =	vand.u32 $0x7FFFC000, v42;
	v1 =	vand.u32 $0x3FFF, v30;
	[tilespmem:$0x730] =	vst v2  }
0x70: {  	v2 =	vor.u32 v46, v6;
	[tilespmem:$0x740] =	vst v3;
	v3 =	vand.u32 $0x7FFFC000, v48;
	v51 =	vshrl.u32 v39, $0x1  }
0x71: {  	v56 =	vld [tilespmem:$0x3E0];
	v54 =	vshrl.u32 v43, $0x1;
	v55 =	vand.u32 $0x3FFF, v43;
	v1 =	vor.u32 v1, v44;
	[tilespmem:$0x770] =	vst v2  }
0x72: {  	v3 =	vor.u32 v50, v3;
	v53 =	vand.u32 $0x7FFFC000, v51;
	v5 =	vand.u32 $0x7FFFC000, v54;
	[tilespmem:$0x760] =	vst v1  }
0x73: {  	v61 =	vshrl.u32 v52, $0x1;
	v1 =	vand.u32 $0x3FFF, v39;
	v2 =	vor.u32 v55, v5;
	[tilespmem:$0x780] =	vst v3  }
0x74: {  	v62 =	vand.u32 $0x3FFF, v52;
	v3 =	vand.u32 $0x7FFFC000, v57;
	v1 =	vor.u32 v1, v53;
	[tilespmem:$0x7A0] =	vst v2  }
0x75: {  	v2 =	vand.u32 $0x3FFF, v49;
	[tilespmem:$0x790] =	vst v1;
	v1 =	vor.u32 v59, v3;
	v3 =	vand.u32 $0x7FFFC000, v60  }
0x76: {  	v4 =	vand.u32 $0x7FFFC000, v61;
	[tilespmem:$0x7B0] =	vst v1;
	v1 =	vor.u32 v2, v3;
	v3 =	vshrl.u32 v56, $0x1  }
0x77: {  	v2 =	vor.u32 v62, v4;
	[tilespmem:$0x7C0] =	vst v1;
	v1 =	vand.u32 $0x7FFFC000, v3;
	v3 =	vand.u32 $0x3FFF, v56  }
0x78: {  	[tilespmem:$0x7D0] =	vst v2;
	v2 =	vand.u32 $0x7FFFC000, v63;
	v1 =	vor.u32 v3, v1;
	v3 =	vand.u32 $0x3FFF, v58  }
0x79: {  	p0 =	por $0x0, $0x0;
	s19 =	simm.s32 $0x0;
	s20 =	simm.s32 $0x80;
	[tilespmem:$0x7E0] =	vst v1;
	v1 =	vor.u32 v3, v2  }
0x7a: {  	s21 =	simm.s32 $0x0;
	s22 =	simm.s32 $0x0;
	s23 =	simm.s32 $0x0;
	[tilespmem:$0x7F0] =	vst v1  }
0x7b: {  	[tilespmem:s12], [sflag:$0x1] =	stream.indirect.gather [hbm4b:s3+s14], $0x80, s11, s14, $0xb8;
	[tilespmem:$0x18800] =	vst v63  }
.LBB2_2:
0x7c: {  	s24 =	sshll.u32 s23, $0x8  }
0x7d: {  	s24 =	sor.u32 $0x80, s24  }
0x7e: {  	s25 =	sadd.s32 $0x0, s22;
	s24 =	sand.u32 $0x3FFFFF80, s24  }
0x7f: {  	v1 =	vmov s25;
	s24 =	sadd.s32 $0x400, s24  }
0x80: {  	[tilespmem:s15], [sflag:$0x2] =	stream.indirect.gather [hbm4b:s3+s14], $0x80, s24, s14, $0xb8;
	[tilespmem:$0x18800] =	vst v63  }
0x81: {  	_ =	swait.ge [sflag:s13], $0x4000  }
0x82: {  	[sflag:s13] =	ssyncset.done $0x0  }
0x83: {  	[sflag:s13] =	ssyncadd.s32 $0xFFFFC000  }
0x84: {  	v1 =	vld.idx.msk [tilespmem:v1+s2+$0x0], $0xffff;
	_ =	sdelay $0x4  }
0x85: {  	v1 =	vshrl.u32 v1, $0x8  }
0x86: {  	s29 =	simm.s32 $0x0;
	v1 =	vand.u32 $0x40, v1  }
0x87: {  	v4 =	vor.u32 s29, v1  }
0x88: {  	v1 =	vor.u32 v0, v4;
	_ =	sdelay $0x3  }
0x89: {  	s24 =	simm.s32 $0x1  }
0x8a: {  	s30 =	sshll.u32 s21, $0x2;
	s24 =	simm.s32 @!p0 $0x0;
	v2 =	vld.idx.msk [tilespmem:v1+s12+$0x0], $0xffff;
	v1 =	vor.u32 $0x10, v0  }
0x8b: {  	s26 =	sand.u32 $0xFFFFFF00, s30;
	s24 =	sshll.u32 s24, $0x11;
	v3 =	vor.u32 v1, v4  }
0x8c: {  	s24 =	sadd.s32 s26, s24  }
0x8d: {  	s24 =	sshra.s32 s24, $0x2  }
0x8e: {  	s25 =	sadd.s32 $0x8820, s24  }
0x8f: {  	[tilespmem:s25+$0xFFFFFFE0] =	vst v2  }
0x90: {  	v2 =	vor.u32 $0x20, v0;
	v3 =	vld.idx.msk [tilespmem:v3+s12+$0x0], $0xffff  }
0x91: {  	v5 =	vor.u32 v2, v4;
	_ =	sdelay $0x3  }
0x92: {  	[tilespmem:s25+$0xFFFFFFF0] =	vst v3  }
0x93: {  	v3 =	vor.u32 $0x30, v0;
	v5 =	vld.idx.msk [tilespmem:v5+s12+$0x0], $0xffff  }
0x94: {  	v4 =	vor.u32 v3, v4;
	_ =	sdelay $0x1  }
0x95: {  	s31 =	sand.u32 $0x3, s19  }
0x96: {  	s24 =	sshll.u32 s31, $0x10  }
0x97: {  	s24 =	sadd.s32 s26, s24;
	[tilespmem:s25+$0x0] =	vst v5  }
0x98: {  	s24 =	sshra.s32 s24, $0x2;
	s29 =	sadd.s32 $0x1, s22;
	v5 =	vld.idx.msk [tilespmem:v4+s12+$0x0], $0xffff  }
0x99: {  	s28 =	simm.s32 $0x2;
	s26 =	simm.s32 $0x1;
	s24 =	sadd.s32 $0x8800, s24;
	v4 =	vmov s29  }
.LBB2_3:
0x9a: {  	_ =	sdelay $0x1  }
0x9b: {  	p1 =	sne.s32 s28, $0x7F  }
0x9c: {  	s29 =	smov.u32 s28;
	s28 =	sadd.s32 $0x1, s28;
	[tilespmem:s25+$0x10] =	vst v5;
	s25 =	sadd.s32 $0x80, s25  }
0x9d: {  	v4 =	vld.idx.msk [tilespmem:v4+s2+$0x0], $0xffff;
	_ =	sdelay $0x5  }
0x9e: {  	v4 =	vshrl.u32 v4, $0x8  }
0x9f: {  	s30 =	sshll.u32 s26, $0x7;
	s26 =	smov.u32 s29;
	v4 =	vand.u32 $0x40, v4  }
0xa0: {  	v4 =	vor.u32 s30, v4  }
0xa1: {  	v5 =	vor.u32 v0, v4;
	_ =	sdelay $0x4  }
0xa2: {  	v5 =	vld.idx.msk [tilespmem:v5+s12+$0x0], $0xffff;
	_ =	sdelay $0x1  }
0xa3: {  	v6 =	vor.u32 v1, v4;
	_ =	sdelay $0x3  }
0xa4: {  	[tilespmem:s25+$0xFFFFFFE0] =	vst v5  }
0xa5: {  	v5 =	vld.idx.msk [tilespmem:v6+s12+$0x0], $0xffff;
	_ =	sdelay $0x1  }
0xa6: {  	v6 =	vor.u32 v2, v4;
	_ =	sdelay $0x3  }
0xa7: {  	[tilespmem:s25+$0xFFFFFFF0] =	vst v5  }
0xa8: {  	v5 =	vld.idx.msk [tilespmem:v6+s12+$0x0], $0xffff;
	_ =	sdelay $0x1  }
0xa9: {  	v4 =	vor.u32 v3, v4;
	_ =	sdelay $0x2  }
.Ltmp0:
0xaa: {  	(pc) =	sbr.rel @p1 .LBB2_3-.Ltmp0, $4  }
0xab: {  	[tilespmem:s25+$0x0] =	vst v5  }
0xac: {  	v5 =	vld.idx.msk [tilespmem:v4+s12+$0x0], $0xffff  }
0xad: {  	s29 =	sadd.s32 s26, s22  }
0xae: {  	v4 =	vmov s29  }
0xaf: {  	_ =	sdelay $0x2  }
0xb0: {  	[tilespmem:s25+$0x10] =	vst v5  }
0xb1: {  	v4 =	vld.idx.msk [tilespmem:v4+s2+$0x0], $0xffff;
	_ =	sdelay $0x4  }
0xb2: {  	v4 =	vshrl.u32 v4, $0x8  }
0xb3: {  	s26 =	sshll.u32 s26, $0x7;
	v4 =	vand.u32 $0x40, v4  }
0xb4: {  	v4 =	vor.u32 s26, v4  }
0xb5: {  	v5 =	vor.u32 v0, v4;
	_ =	sdelay $0x4  }
0xb6: {  	v5 =	vld.idx.msk [tilespmem:v5+s12+$0x0], $0xffff  }
0xb7: {  	v6 =	vor.u32 v1, v4;
	_ =	sdelay $0x2  }
0xb8: {  	s29 =	sadd.s32 $0x80, s25  }
0xb9: {  	[tilespmem:s29+$0xFFFFFFE0] =	vst v5  }
0xba: {  	v5 =	vld.idx.msk [tilespmem:v6+s12+$0x0], $0xffff  }
0xbb: {  	v6 =	vor.u32 v2, v4;
	_ =	sdelay $0x3  }
0xbc: {  	[tilespmem:s29+$0xFFFFFFF0] =	vst v5  }
0xbd: {  	v5 =	vld.idx.msk [tilespmem:v6+s12+$0x0], $0xffff  }
0xbe: {  	v4 =	vor.u32 v3, v4;
	_ =	sdelay $0x3  }
0xbf: {  	[tilespmem:s29+$0x0] =	vst v5  }
0xc0: {  	v4 =	vld.idx.msk [tilespmem:v4+s12+$0x0], $0xffff;
	_ =	sdelay $0x1  }
0xc1: {  	p1 =	seq.s32 s23, $0x3  }
0xc2: {  	s26 =	sshll.u32 @!p1 s23, $0x8  }
0xc3: {  	s28 =	sadd.s32 $0x0, s20;
	s26 =	sand.u32 @!p1 $0x3FFFFF00, s26  }
0xc4: {  	s25 =	sadd.s32 @!p1 $0x500, s26;
	s26 =	simm.s32 @!p1 $0x80;
	[tilespmem:s29+$0x10] =	vst v4;
	s29 =	simm.s32 @!p1 $0x800;
	v4 =	vmov s28  }
0xc5: {  	[tilespmem:s29], [sflag:$0x1] =	stream.indirect.gather @!p1 [hbm4b:s3+s26], $0x80, s25, s26, $0xb8;
	[tilespmem:$0x18800] =	vst v63  }
0xc6: {  	_ =	swait.ge [sflag:s16], $0x4000  }
0xc7: {  	[sflag:s16] =	ssyncset.done $0x0  }
0xc8: {  	[sflag:s16] =	ssyncadd.s32 $0xFFFFC000  }
0xc9: {  	v4 =	vld.idx.msk [tilespmem:v4+s2+$0x0], $0xffff;
	_ =	sdelay $0x4  }
0xca: {  	v4 =	vshrl.u32 v4, $0x8  }
0xcb: {  	s30 =	simm.s32 $0x0;
	v4 =	vand.u32 $0x40, v4  }
0xcc: {  	v5 =	vor.u32 s30, v4  }
0xcd: {  	v6 =	vor.u32 v0, v5;
	_ =	sdelay $0x4  }
0xce: {  	v4 =	vmov s24;
	v6 =	vld.idx.msk [tilespmem:v6+s15+$0x0], $0xffff  }
0xcf: {  	v7 =	vor.u32 v1, v5;
	_ =	sdelay $0x2  }
0xd0: {  	s28 =	simm.s32 $0x0  }
0xd1: {  	[tilespmem:v4+s28+$0x4000 ss:$0x1] =	vst.idx.msk $0xffff, v6  }
0xd2: {  	v6 =	vld.idx.msk [tilespmem:v7+s15+$0x0], $0xffff  }
0xd3: {  	v7 =	vor.u32 v2, v5;
	_ =	sdelay $0x3  }
0xd4: {  	[tilespmem:v4+s28+$0x4010 ss:$0x1] =	vst.idx.msk $0xffff, v6  }
0xd5: {  	v6 =	vld.idx.msk [tilespmem:v7+s15+$0x0], $0xffff  }
0xd6: {  	v5 =	vor.u32 v3, v5;
	_ =	sdelay $0x3  }
0xd7: {  	[tilespmem:v4+s28+$0x4020 ss:$0x1] =	vst.idx.msk $0xffff, v6  }
0xd8: {  	s31 =	sadd.s32 $0x1, s20;
	v5 =	vld.idx.msk [tilespmem:v5+s15+$0x0], $0xffff  }
0xd9: {  	s26 =	simm.s32 $0x400;
	s25 =	simm.s32 $0x1;
	s24 =	simm.s32 $0x200;
	v6 =	vmov s31  }
.LBB2_5:
0xda: {  	_ =	sdelay $0x2  }
0xdb: {  	p1 =	sne.s32 s26, $0xFE00;
	s29 =	smov.u32 s26;
	s26 =	sadd.s32 $0x200, s26;
	[tilespmem:v4+s28+$0x4030 ss:$0x1] =	vst.idx.msk $0xffff, v5  }
0xdc: {  	v5 =	vld.idx.msk [tilespmem:v6+s2+$0x0], $0xffff;
	_ =	sdelay $0x5  }
0xdd: {  	v5 =	vshrl.u32 v5, $0x8  }
0xde: {  	s28 =	sshll.u32 s25, $0x7;
	v5 =	vand.u32 $0x40, v5  }
0xdf: {  	v5 =	vor.u32 s28, v5  }
0xe0: {  	v6 =	vor.u32 v0, v5;
	_ =	sdelay $0x4  }
0xe1: {  	v6 =	vld.idx.msk [tilespmem:v6+s15+$0x0], $0xffff;
	_ =	sdelay $0x1  }
0xe2: {  	v7 =	vor.u32 v1, v5;
	_ =	sdelay $0x2  }
0xe3: {  	s28 =	sshra.s32 s24, $0x2;
	s24 =	smov.u32 s29  }
0xe4: {  	[tilespmem:v4+s28+$0x4000 ss:$0x1] =	vst.idx.msk $0xffff, v6  }
0xe5: {  	v6 =	vld.idx.msk [tilespmem:v7+s15+$0x0], $0xffff;
	_ =	sdelay $0x1  }
0xe6: {  	v7 =	vor.u32 v2, v5;
	_ =	sdelay $0x3  }
0xe7: {  	[tilespmem:v4+s28+$0x4010 ss:$0x1] =	vst.idx.msk $0xffff, v6  }
0xe8: {  	v6 =	vld.idx.msk [tilespmem:v7+s15+$0x0], $0xffff;
	_ =	sdelay $0x1  }
0xe9: {  	v5 =	vor.u32 v3, v5;
	_ =	sdelay $0x2  }
.Ltmp1:
0xea: {  	(pc) =	sbr.rel @p1 .LBB2_5-.Ltmp1, $4  }
0xeb: {  	[tilespmem:v4+s28+$0x4020 ss:$0x1] =	vst.idx.msk $0xffff, v6  }
0xec: {  	s25 =	sadd.s32 $0x1, s25;
	v5 =	vld.idx.msk [tilespmem:v5+s15+$0x0], $0xffff  }
0xed: {  	s29 =	sadd.s32 s25, s20  }
0xee: {  	v6 =	vmov s29  }
0xef: {  	_ =	sdelay $0x3  }
0xf0: {  	[tilespmem:v4+s28+$0x4030 ss:$0x1] =	vst.idx.msk $0xffff, v5  }
0xf1: {  	v5 =	vld.idx.msk [tilespmem:v6+s2+$0x0], $0xffff;
	_ =	sdelay $0x4  }
0xf2: {  	v5 =	vshrl.u32 v5, $0x8  }
0xf3: {  	s25 =	sshll.u32 s25, $0x7;
	v5 =	vand.u32 $0x40, v5  }
0xf4: {  	v5 =	vor.u32 s25, v5  }
0xf5: {  	v63 =	vor.u32 v0, v5;
	_ =	sdelay $0x4  }
0xf6: {  	v6 =	vld.idx.msk [tilespmem:v63+s15+$0x0], $0xffff  }
0xf7: {  	v1 =	vor.u32 v1, v5;
	_ =	sdelay $0x2  }
0xf8: {  	s24 =	sshra.s32 s24, $0x2  }
0xf9: {  	[tilespmem:v4+s24+$0x4000 ss:$0x1] =	vst.idx.msk $0xffff, v6  }
0xfa: {  	v1 =	vld.idx.msk [tilespmem:v1+s15+$0x0], $0xffff  }
0xfb: {  	v2 =	vor.u32 v2, v5;
	_ =	sdelay $0x3  }
0xfc: {  	[tilespmem:v4+s24+$0x4010 ss:$0x1] =	vst.idx.msk $0xffff, v1  }
0xfd: {  	v1 =	vld.idx.msk [tilespmem:v2+s15+$0x0], $0xffff  }
0xfe: {  	v2 =	vor.u32 v3, v5;
	_ =	sdelay $0x3  }
0xff: {  	s23 =	sadd.s32 $0x1, s23;
	[tilespmem:v4+s24+$0x4020 ss:$0x1] =	vst.idx.msk $0xffff, v1  }
0x100: {  	p1 =	sne.s32 s23, $0x4;
	v1 =	vld.idx.msk [tilespmem:v2+s15+$0x0], $0xffff  }
.Ltmp2:
0x101: {  	_ = 	snop;
	(pc) =	sbr.rel @p1 .LBB2_2-.Ltmp2, $3  }
0x102: {  	_ =	sdelay $0x1  }
0x103: {  	s22 =	sadd.s32 $0x100, s22;
	p0 =	por !p0, !p0  }
0x104: {  	s21 =	sadd.s32 $0x20, s21;
	s20 =	sadd.s32 $0x100, s20;
	s19 =	sadd.s32 $0x2, s19;
	[tilespmem:v4+s24+$0x4030 ss:$0x1] =	vst.idx.msk $0xffff, v1  }
0x105: {  	s18 =	sadd.s32 $0x1, s18  }
0x106: {  	p0 =	sne.s32 s18, s7  }
.Ltmp3:
0x107: {  	_ = 	snop;
	(pc) =	sbr.rel @p0 .LBB2_1-.Ltmp3, $4  }
0x108: {  	[hbm4b:s6+s2] =	stream.linear.scatter [tilespmem:s17], [sflag:$0x3], $0x10000, $0x38;
	[tilespmem:$0x18800] =	vst v63  }
0x109: {  	_ =	swait.ge [sflag:s9], $0x10000  }
0x10a: {  	[sflag:s9] =	ssyncset.done $0x0  }
0x10b: {  	[sflag:s9] =	ssyncadd.s32 $0xFFFF0000  }
0x10c: {  	_ =	sfence.sel $0x180000  }
0x10d: {  	[bflag:$0x0] =	sbarrier.arrive $0xFFFF  }
0x10e: {  	p0 =	sne.s32 s1, $0x0;
	_ =	strace $0x90000047  }
0x10f: {  	s0 =	sadd.s32 @!p0 $0x100000, s0;
	[bflag:$0x2] =	sbarrier.arrive $0xFFFF  }
0x110: {  	[sflag:s0] =	ssyncadd.tile.s32 @!p0 $0x1;
	_ =	shalt  }
.Lfunc_end2:
_tile_overlayer_lowered:
.L_overlay_start_2:
0x111: {  	(tag) =	ssettag $0x2  }
0x112: {  	s0 =	rddreg [dreg:$0x0];
	s2 =	stileid.u32  }
0x113: {  	s1 =	rddreg [dreg:$0x1];
	p0 =	sne.s32 s2, $0x0  }
0x114: {  	s3 =	rddreg [dreg:$0x2];
	[bflag:$0x3] =	sbarrier.arrive $0xFFFF;
	s2 =	simm.s32 @!p0 $0x1C03  }
0x115: {  	[timem:s3], [sflag:s2] =	dma.local @!p0 [hbm:s0], s1  }
0x116: {  	s0 =	simm.s32 @!p0 $0x3  }
0x117: {  	_ =	swait.ge @!p0 [sflag:s0], s1  }
0x118: {  	s1 =	ssub.s32 @!p0 $0x0, s1;
	[sflag:s0] =	ssyncset.done @!p0 $0x0  }
0x119: {  	[sflag:s0] =	ssyncadd.s32 @!p0 s1  }
0x11a: {  	[bflag:$0x3] =	sbarrier.arrive $0xFFFF  }
0x11b: {  	_ =	shalt  }

</sc_bundles>
